<compile_context>
chip_gen: v7x
topology: tpu7x:2x2x1
jax: 0.10.2.dev20260603
libtpu: 0.0.44.dev20260713+nightly
codegen_flags: <defaults>
</compile_context>

<pallas_src>
import functools

import jax
import jax.numpy as jnp
from jax import lax
from jax.experimental import pallas as pl
from jax.experimental.pallas import tpu as pltpu
from jax.experimental.pallas import tpu_sc as plsc

N = 10000
D = 128
E = 320000
NC = 2
NS = 16
LN = N // NC
LNPAD = 5120
TRASH = 5100
NPAD = 10240
K = 128
NCHUNK = 157
EPAD = NS * NCHUNK * K
ZROWS = 160
WROWS = 312


def _sc_aggregate(x, src_r, dst_r):
    mesh = plsc.VectorSubcoreMesh(core_axis_name="c", subcore_axis_name="s")

    @functools.partial(
        pl.kernel,
        out_type=(
            jax.ShapeDtypeStruct((NPAD, D), jnp.float32),
            jax.ShapeDtypeStruct((NC, LNPAD), jnp.float32),
        ),
        mesh=mesh,
        scratch_types=[
            pltpu.VMEM((NCHUNK, K), jnp.int32),
            pltpu.VMEM((NCHUNK, K), jnp.int32),
            pltpu.VMEM((K, D), jnp.float32),
            pltpu.VMEM((K,), jnp.float32),
            pltpu.VMEM((ZROWS, D), jnp.float32),
            pltpu.VMEM((LNPAD // 4,), jnp.float32),
            pltpu.VMEM_SHARED((LNPAD, D), jnp.float32),
            pltpu.VMEM_SHARED((LNPAD,), jnp.float32),
            pltpu.SemaphoreType.DMA,
            pltpu.SemaphoreType.DMA,
        ],
    )
    def agg_kernel(x_hbm, src_hbm, dst_hbm, agg_hbm, deg_hbm,
                   src_v, dst_v, rows_a, ones_v, zrow_v, zdeg_v,
                   agg_s, deg_s, sem_a, sem_b):
        rows_b = zrow_v.at[pl.ds(0, K), :]
        c = lax.axis_index("c")
        s = lax.axis_index("s")
        zero16 = jnp.zeros((16,), jnp.float32)
        one16 = jnp.ones((16,), jnp.float32)

        @pl.loop(0, ZROWS)
        def _fill_zeros(r):
            for j in range(D // 16):
                zrow_v[r, pl.ds(j * 16, 16)] = zero16

        @pl.loop(0, LNPAD // 4 // 16)
        def _fill_zdeg(r):
            zdeg_v[pl.ds(r * 16, 16)] = zero16

        @pl.loop(0, K // 16)
        def _fill_ones(r):
            ones_v[pl.ds(r * 16, 16)] = one16

        zbase = s * (LNPAD // NS)
        for i in range(LNPAD // NS // ZROWS):
            pltpu.sync_copy(zrow_v, agg_s.at[pl.ds(zbase + i * ZROWS, ZROWS), :])

        @pl.when(s < 4)
        def _zero_deg():
            pltpu.sync_copy(zdeg_v, deg_s.at[pl.ds(s * (LNPAD // 4), LNPAD // 4)])

        plsc.subcore_barrier()

        pltpu.sync_copy(src_hbm.at[s], src_v)
        pltpu.sync_copy(dst_hbm.at[s], dst_v)

        lo = c * LN
        iota16 = lax.iota(jnp.int32, 16)

        @pl.loop(0, NCHUNK)
        def _remap(j):
            for i in range(K // 16):
                t = dst_v[j, pl.ds(i * 16, 16)] - lo
                ok = jnp.logical_and(t >= 0, t < LN)
                tr = LN + ((j * (K // 16) + i) % 7) * 16 + iota16
                dst_v[j, pl.ds(i * 16, 16)] = jnp.where(ok, t, tr)

        pltpu.async_copy(x_hbm.at[src_v.at[0]], rows_a, sem_a)

        @pl.loop(0, NCHUNK - 1, step=2)
        def _pair(j):
            pltpu.async_copy(x_hbm.at[src_v.at[j + 1]], rows_b, sem_b)
            pltpu.make_async_copy(x_hbm.at[src_v.at[j]], rows_a, sem_a).wait()
            pltpu.sync_copy(rows_a, agg_s.at[dst_v.at[j]], add=True)
            pltpu.sync_copy(ones_v, deg_s.at[dst_v.at[j]], add=True)
            pltpu.async_copy(x_hbm.at[src_v.at[j + 2]], rows_a, sem_a)
            pltpu.make_async_copy(x_hbm.at[src_v.at[j + 1]], rows_b,
                                  sem_b).wait()
            pltpu.sync_copy(rows_b, agg_s.at[dst_v.at[j + 1]], add=True)
            pltpu.sync_copy(ones_v, deg_s.at[dst_v.at[j + 1]], add=True)

        pltpu.make_async_copy(x_hbm.at[src_v.at[NCHUNK - 1]], rows_a,
                              sem_a).wait()
        pltpu.sync_copy(rows_a, agg_s.at[dst_v.at[NCHUNK - 1]], add=True)
        pltpu.sync_copy(ones_v, deg_s.at[dst_v.at[NCHUNK - 1]], add=True)

        plsc.subcore_barrier()
        wbase = c * LN + s * WROWS
        pltpu.sync_copy(agg_s.at[pl.ds(s * WROWS, WROWS), :],
                        agg_hbm.at[pl.ds(wbase, WROWS), :])

        @pl.when(s == 0)
        def _tail():
            pltpu.sync_copy(agg_s.at[pl.ds(NS * WROWS, LN - NS * WROWS), :],
                            agg_hbm.at[pl.ds(lo + NS * WROWS, LN - NS * WROWS), :])
            pltpu.sync_copy(deg_s, deg_hbm.at[c])

    return agg_kernel(x, src_r, dst_r)


def _tc_combine(x, agg, deg_col, W_self, W_neigh, b2):
    BM = 512
    grid = (pl.cdiv(N, BM),)

    def body(x_ref, a_ref, d_ref, ws_ref, wn_ref, b_ref, o_ref):
        xb = x_ref[...]
        deg1 = jnp.maximum(d_ref[...], 1.0)
        hn = a_ref[...] / deg1
        rst = (jnp.dot(xb, ws_ref[...], preferred_element_type=jnp.float32)
               + jnp.dot(hn, wn_ref[...], preferred_element_type=jnp.float32)
               + b_ref[...])
        o_ref[...] = xb + jnp.maximum(rst, 0.0)

    return pl.pallas_call(
        body,
        grid=grid,
        in_specs=[
            pl.BlockSpec((BM, D), lambda i: (i, 0)),
            pl.BlockSpec((BM, D), lambda i: (i, 0)),
            pl.BlockSpec((BM, 1), lambda i: (i, 0)),
            pl.BlockSpec((D, D), lambda i: (0, 0)),
            pl.BlockSpec((D, D), lambda i: (0, 0)),
            pl.BlockSpec((1, D), lambda i: (0, 0)),
        ],
        out_specs=pl.BlockSpec((BM, D), lambda i: (i, 0)),
        out_shape=jax.ShapeDtypeStruct((N, D), jnp.float32),
    )(x, agg, deg_col, W_self, W_neigh, b2)


def kernel(x, edge_index, W_self, W_neigh, b):
    pad = EPAD - E
    src = jnp.concatenate([edge_index[0], jnp.zeros((pad,), jnp.int32)])
    dst = jnp.concatenate([edge_index[1], jnp.full((pad,), -1, jnp.int32)])
    agg, deg = _sc_aggregate(x, src.reshape(NS, NCHUNK, K),
                             dst.reshape(NS, NCHUNK, K))
    deg_col = jnp.concatenate([deg[0, :LN], deg[1, :LN]])[:, None]
    return _tc_combine(x, agg, deg_col, W_self, W_neigh, b.reshape(1, D))

# --- scband reference (transcript-rebuilt; emitter-appended) ---
"""Pipeline reference for scband-graph-sage-layer-83932250898900 (READ-ONLY COPY).

The authoritative reference and input builder live on the scoring server;
editing this copy changes nothing except your own understanding.
"""

import jax, jax.numpy as jnp
import numpy as np

N = 10000
E = 320000
D = 128


def setup_inputs(seed: int = 0) -> dict:
    key = jax.random.key(seed)
    k1, k2, k3, k4, k5 = jax.random.split(key, 5)
    x = jax.random.normal(k1, (N, D), dtype=jnp.float32)
    edge_index = jax.random.randint(k2, (2, E), 0, N, dtype=jnp.int32)
    # SAGEConv (mean aggregator) learned parameters: fc_self, fc_neigh, bias
    scale = 1.0 / np.sqrt(D)
    W_self = jax.random.uniform(k3, (D, D), dtype=jnp.float32, minval=-scale, maxval=scale)
    W_neigh = jax.random.uniform(k4, (D, D), dtype=jnp.float32, minval=-scale, maxval=scale)
    b = jax.random.uniform(k5, (D,), dtype=jnp.float32, minval=-scale, maxval=scale)
    return {"x": x, "edge_index": edge_index, "W_self": W_self, "W_neigh": W_neigh, "b": b}


def reference(x, edge_index, W_self, W_neigh, b):
    # GraphSageLayer forward (aggregator='mean', dropout=0.0, batch_norm=False, residual=True)
    h_in = x
    src = edge_index[0]
    dst = edge_index[1]
    # message = gather source features along edges
    msg = jnp.take(x, src, axis=0)                      # [E, D] gather
    # mean aggregation over incoming edges per destination node
    agg = jax.ops.segment_sum(msg, dst, num_segments=N)  # [N, D] scatter-add
    deg = jax.ops.segment_sum(jnp.ones((E,), dtype=x.dtype), dst, num_segments=N)
    h_neigh = agg / jnp.clip(deg, 1.0, None)[:, None]
    # rst = fc_self(h_self) + fc_neigh(h_neigh) + bias
    rst = x @ W_self + h_neigh @ W_neigh + b
    # activation
    h = jax.nn.relu(rst)
    # residual connection (in_feats == out_feats)
    h = h_in + h
    return h

if __name__ == "__main__":
    import jax
    _d = setup_inputs()
    print(jax.jit(kernel)(*tuple(_d.values())))

</pallas_src>

<mosaic_0001>
#map = affine_map<(d0, d1) -> (0, 0)>
#map1 = affine_map<(d0, d1) -> (0, 0, 0)>
module attributes {stable_mosaic.version = 14 : i64} {
  func.func @agg_kernel(%arg0: i32, %arg1: i32, %arg2: memref<10000x128xf32, #tpu.memory_space<hbm>>, %arg3: memref<16x157x128xi32, #tpu.memory_space<hbm>>, %arg4: memref<16x157x128xi32, #tpu.memory_space<hbm>>, %arg5: memref<10240x128xf32, #tpu.memory_space<hbm>>, %arg6: memref<2x5120xf32, #tpu.memory_space<hbm>>, %arg7: memref<157x128xi32, #tpu.memory_space<vmem>>, %arg8: memref<157x128xi32, #tpu.memory_space<vmem>>, %arg9: memref<128x128xf32, #tpu.memory_space<vmem>>, %arg10: memref<128xf32, #tpu.memory_space<vmem>>, %arg11: memref<160x128xf32, #tpu.memory_space<vmem>>, %arg12: memref<1280xf32, #tpu.memory_space<vmem>>, %arg13: memref<5120x128xf32, #tpu.memory_space<vmem_shared>>, %arg14: memref<5120xf32, #tpu.memory_space<vmem_shared>>, %arg15: memref<!tpu.dma_semaphore, #tpu.memory_space<semaphore_mem>>, %arg16: memref<!tpu.dma_semaphore, #tpu.memory_space<semaphore_mem>>) attributes {dimension_semantics = [#tpu.dimension_semantics<core_parallel>, #tpu.dimension_semantics<subcore_parallel>], iteration_bounds = array<i64: 2, 16>, scalar_prefetch = 0 : i64, scratch_operands = 10 : i64, tpu.core_type = #tpu.core_type<sc_vector_subcore>, window_params = [{transform_indices = #map}, {transform_indices = #map1}, {transform_indices = #map1}, {transform_indices = #map}, {transform_indices = #map}]} {
    %broadcast_in_dim3A = arith.constant 0.000000e+00 : f32
    %broadcast_in_dim3A_0 = vector.broadcast %broadcast_in_dim3A : f32 to vector<16xf32>
    %broadcast_in_dim3A_1 = arith.constant 1.000000e+00 : f32
    %broadcast_in_dim3A_2 = vector.broadcast %broadcast_in_dim3A_1 : f32 to vector<16xf32>
    %scan3A = arith.constant 0 : i32
    %scan3A_3 = arith.constant 160 : i32
    %scan3A_4 = arith.addi %scan3A, %scan3A_3 : i32
    %scan3A_5 = arith.constant 1 : i32
    scf.for %scan3A_60 = %scan3A to %scan3A_4 step %scan3A_5  : i32 {
      %mul3A_61 = arith.constant 1 : i32
      %mul3A_62 = arith.muli %scan3A_60, %mul3A_61 : i32
      %add3A_63 = arith.constant 0 : i32
      %add3A_64 = arith.addi %add3A_63, %mul3A_62 : i32
      %swap3A = arith.index_cast %add3A_64 : i32 to index
      %swap3A_65 = arith.constant 0 : index
      %swap3A_66 = tpu.vector_load %arg11[%swap3A, %swap3A_65] {strides = array<i32>} : memref<160x128xf32, #tpu.memory_space<vmem>>, vector<1x16xf32>,
      %swap3A_67 = vector.shape_cast %swap3A_66 : vector<1x16xf32> to vector<16xf32>
      %swap3A_68 = vector.shape_cast %broadcast_in_dim3A_0 : vector<16xf32> to vector<1x16xf32>
      tpu.vector_store %arg11[%swap3A, %swap3A_65], %swap3A_68 {strides = array<i32>} : memref<160x128xf32, #tpu.memory_space<vmem>>, vector<1x16xf32>,
      %swap3A_69 = arith.index_cast %add3A_64 : i32 to index
      %swap3A_70 = arith.constant 16 : index
      %swap3A_71 = tpu.vector_load %arg11[%swap3A_69, %swap3A_70] {strides = array<i32>} : memref<160x128xf32, #tpu.memory_space<vmem>>, vector<1x16xf32>,
      %swap3A_72 = vector.shape_cast %swap3A_71 : vector<1x16xf32> to vector<16xf32>
      %swap3A_73 = vector.shape_cast %broadcast_in_dim3A_0 : vector<16xf32> to vector<1x16xf32>
      tpu.vector_store %arg11[%swap3A_69, %swap3A_70], %swap3A_73 {strides = array<i32>} : memref<160x128xf32, #tpu.memory_space<vmem>>, vector<1x16xf32>,
      %swap3A_74 = arith.index_cast %add3A_64 : i32 to index
      %swap3A_75 = arith.constant 32 : index
      %swap3A_76 = tpu.vector_load %arg11[%swap3A_74, %swap3A_75] {strides = array<i32>} : memref<160x128xf32, #tpu.memory_space<vmem>>, vector<1x16xf32>,
      %swap3A_77 = vector.shape_cast %swap3A_76 : vector<1x16xf32> to vector<16xf32>
      %swap3A_78 = vector.shape_cast %broadcast_in_dim3A_0 : vector<16xf32> to vector<1x16xf32>
      tpu.vector_store %arg11[%swap3A_74, %swap3A_75], %swap3A_78 {strides = array<i32>} : memref<160x128xf32, #tpu.memory_space<vmem>>, vector<1x16xf32>,
      %swap3A_79 = arith.index_cast %add3A_64 : i32 to index
      %swap3A_80 = arith.constant 48 : index
      %swap3A_81 = tpu.vector_load %arg11[%swap3A_79, %swap3A_80] {strides = array<i32>} : memref<160x128xf32, #tpu.memory_space<vmem>>, vector<1x16xf32>,
      %swap3A_82 = vector.shape_cast %swap3A_81 : vector<1x16xf32> to vector<16xf32>
      %swap3A_83 = vector.shape_cast %broadcast_in_dim3A_0 : vector<16xf32> to vector<1x16xf32>
      tpu.vector_store %arg11[%swap3A_79, %swap3A_80], %swap3A_83 {strides = array<i32>} : memref<160x128xf32, #tpu.memory_space<vmem>>, vector<1x16xf32>,
      %swap3A_84 = arith.index_cast %add3A_64 : i32 to index
      %swap3A_85 = arith.constant 64 : index
      %swap3A_86 = tpu.vector_load %arg11[%swap3A_84, %swap3A_85] {strides = array<i32>} : memref<160x128xf32, #tpu.memory_space<vmem>>, vector<1x16xf32>,
      %swap3A_87 = vector.shape_cast %swap3A_86 : vector<1x16xf32> to vector<16xf32>
      %swap3A_88 = vector.shape_cast %broadcast_in_dim3A_0 : vector<16xf32> to vector<1x16xf32>
      tpu.vector_store %arg11[%swap3A_84, %swap3A_85], %swap3A_88 {strides = array<i32>} : memref<160x128xf32, #tpu.memory_space<vmem>>, vector<1x16xf32>,
      %swap3A_89 = arith.index_cast %add3A_64 : i32 to index
      %swap3A_90 = arith.constant 80 : index
      %swap3A_91 = tpu.vector_load %arg11[%swap3A_89, %swap3A_90] {strides = array<i32>} : memref<160x128xf32, #tpu.memory_space<vmem>>, vector<1x16xf32>,
      %swap3A_92 = vector.shape_cast %swap3A_91 : vector<1x16xf32> to vector<16xf32>
      %swap3A_93 = vector.shape_cast %broadcast_in_dim3A_0 : vector<16xf32> to vector<1x16xf32>
      tpu.vector_store %arg11[%swap3A_89, %swap3A_90], %swap3A_93 {strides = array<i32>} : memref<160x128xf32, #tpu.memory_space<vmem>>, vector<1x16xf32>,
      %swap3A_94 = arith.index_cast %add3A_64 : i32 to index
      %swap3A_95 = arith.constant 96 : index
      %swap3A_96 = tpu.vector_load %arg11[%swap3A_94, %swap3A_95] {strides = array<i32>} : memref<160x128xf32, #tpu.memory_space<vmem>>, vector<1x16xf32>,
      %swap3A_97 = vector.shape_cast %swap3A_96 : vector<1x16xf32> to vector<16xf32>
      %swap3A_98 = vector.shape_cast %broadcast_in_dim3A_0 : vector<16xf32> to vector<1x16xf32>
      tpu.vector_store %arg11[%swap3A_94, %swap3A_95], %swap3A_98 {strides = array<i32>} : memref<160x128xf32, #tpu.memory_space<vmem>>, vector<1x16xf32>,
      %swap3A_99 = arith.index_cast %add3A_64 : i32 to index
      %swap3A_100 = arith.constant 112 : index
      %swap3A_101 = tpu.vector_load %arg11[%swap3A_99, %swap3A_100] {strides = array<i32>} : memref<160x128xf32, #tpu.memory_space<vmem>>, vector<1x16xf32>,
      %swap3A_102 = vector.shape_cast %swap3A_101 : vector<1x16xf32> to vector<16xf32>
      %swap3A_103 = vector.shape_cast %broadcast_in_dim3A_0 : vector<16xf32> to vector<1x16xf32>
      tpu.vector_store %arg11[%swap3A_99, %swap3A_100], %swap3A_103 {strides = array<i32>} : memref<160x128xf32, #tpu.memory_space<vmem>>, vector<1x16xf32>,
    }
    %scan3A_6 = arith.constant 160 : i32
    %scan3A_7 = arith.constant 0 : i32
    %scan3A_8 = arith.constant 80 : i32
    %scan3A_9 = arith.addi %scan3A_7, %scan3A_8 : i32
    %scan3A_10 = arith.constant 1 : i32
    scf.for %scan3A_60 = %scan3A_7 to %scan3A_9 step %scan3A_10  : i32 {
      %mul3A_61 = arith.constant 1 : i32
      %mul3A_62 = arith.muli %scan3A_60, %mul3A_61 : i32
      %add3A_63 = arith.constant 0 : i32
      %add3A_64 = arith.addi %add3A_63, %mul3A_62 : i32
      %mul3A_65 = arith.constant 16 : i32
      %mul3A_66 = arith.muli %add3A_64, %mul3A_65 : i32
      %swap3A = arith.index_cast %mul3A_66 : i32 to index
      %swap3A_67 = tpu.vector_load %arg12[%swap3A] {strides = array<i32>} : memref<1280xf32, #tpu.memory_space<vmem>>, vector<16xf32>,
      %swap3A_68 = vector.shape_cast %swap3A_67 : vector<16xf32> to vector<16xf32>
      %swap3A_69 = vector.shape_cast %broadcast_in_dim3A_0 : vector<16xf32> to vector<16xf32>
      tpu.vector_store %arg12[%swap3A], %swap3A_69 {strides = array<i32>} : memref<1280xf32, #tpu.memory_space<vmem>>, vector<16xf32>,
    }
    %scan3A_11 = arith.constant 80 : i32
    %scan3A_12 = arith.constant 0 : i32
    %scan3A_13 = arith.constant 8 : i32
    %scan3A_14 = arith.addi %scan3A_12, %scan3A_13 : i32
    %scan3A_15 = arith.constant 1 : i32
    scf.for %scan3A_60 = %scan3A_12 to %scan3A_14 step %scan3A_15  : i32 {
      %mul3A_61 = arith.constant 1 : i32
      %mul3A_62 = arith.muli %scan3A_60, %mul3A_61 : i32
      %add3A_63 = arith.constant 0 : i32
      %add3A_64 = arith.addi %add3A_63, %mul3A_62 : i32
      %mul3A_65 = arith.constant 16 : i32
      %mul3A_66 = arith.muli %add3A_64, %mul3A_65 : i32
      %swap3A = arith.index_cast %mul3A_66 : i32 to index
      %swap3A_67 = tpu.vector_load %arg10[%swap3A] {strides = array<i32>} : memref<128xf32, #tpu.memory_space<vmem>>, vector<16xf32>,
      %swap3A_68 = vector.shape_cast %swap3A_67 : vector<16xf32> to vector<16xf32>
      %swap3A_69 = vector.shape_cast %broadcast_in_dim3A_2 : vector<16xf32> to vector<16xf32>
      tpu.vector_store %arg10[%swap3A], %swap3A_69 {strides = array<i32>} : memref<128xf32, #tpu.memory_space<vmem>>, vector<16xf32>,
    }
    %scan3A_16 = arith.constant 8 : i32
    %mul3A = arith.constant 320 : i32
    %mul3A_17 = arith.muli %arg1, %mul3A : i32
    %add3A = arith.constant 0 : i32
    %add3A_18 = arith.addi %mul3A_17, %add3A : i32
    "tpu.region"() ({
      %run_scoped3A_60 = tpu.sem_alloc : memref<!tpu.dma_semaphore, #tpu.memory_space<semaphore_mem>>
      %dma_start3A_61 = arith.constant 0 : i32
      %dma_start3A_62 = tpu.memref_slice %arg13[%add3A_18, %dma_start3A_61] : memref<5120x128xf32, #tpu.memory_space<vmem_shared>> -> memref<160x128xf32, #tpu.memory_space<vmem_shared>>
      %dma_start3A_63 = arith.constant 0 : i32
      %dma_start3A_64 = tpu.memref_slice %arg13[%add3A_18, %dma_start3A_63] : memref<5120x128xf32, #tpu.memory_space<vmem_shared>> -> memref<160x128xf32, #tpu.memory_space<vmem_shared>>
      tpu.enqueue_dma source(%arg11 : memref<160x128xf32, #tpu.memory_space<vmem>>) target(%dma_start3A_64 : memref<160x128xf32, #tpu.memory_space<vmem_shared>>) target_semaphore(%run_scoped3A_60 : memref<!tpu.dma_semaphore, #tpu.memory_space<semaphore_mem>>)
      %dma_wait3A_65 = arith.constant 0 : i32
      %dma_wait3A_66 = tpu.memref_slice %arg13[%add3A_18, %dma_wait3A_65] : memref<5120x128xf32, #tpu.memory_space<vmem_shared>> -> memref<160x128xf32, #tpu.memory_space<vmem_shared>>
      %dma_wait3A_67 = arith.constant 0 : i32
      %dma_wait3A_68 = tpu.memref_slice %arg13[%add3A_18, %dma_wait3A_67] : memref<5120x128xf32, #tpu.memory_space<vmem_shared>> -> memref<160x128xf32, #tpu.memory_space<vmem_shared>>
      tpu.wait_dma2 semaphore(%run_scoped3A_60 : memref<!tpu.dma_semaphore, #tpu.memory_space<semaphore_mem>>) src(%arg11 : memref<160x128xf32, #tpu.memory_space<vmem>>) dst(%dma_wait3A_68 : memref<160x128xf32, #tpu.memory_space<vmem_shared>>)
      tpu.yield
    }) : () -> ()
    %add3A_19 = arith.constant 160 : i32
    %add3A_20 = arith.addi %mul3A_17, %add3A_19 : i32
    "tpu.region"() ({
      %run_scoped3A_60 = tpu.sem_alloc : memref<!tpu.dma_semaphore, #tpu.memory_space<semaphore_mem>>
      %dma_start3A_61 = arith.constant 0 : i32
      %dma_start3A_62 = tpu.memref_slice %arg13[%add3A_20, %dma_start3A_61] : memref<5120x128xf32, #tpu.memory_space<vmem_shared>> -> memref<160x128xf32, #tpu.memory_space<vmem_shared>>
      %dma_start3A_63 = arith.constant 0 : i32
      %dma_start3A_64 = tpu.memref_slice %arg13[%add3A_20, %dma_start3A_63] : memref<5120x128xf32, #tpu.memory_space<vmem_shared>> -> memref<160x128xf32, #tpu.memory_space<vmem_shared>>
      tpu.enqueue_dma source(%arg11 : memref<160x128xf32, #tpu.memory_space<vmem>>) target(%dma_start3A_64 : memref<160x128xf32, #tpu.memory_space<vmem_shared>>) target_semaphore(%run_scoped3A_60 : memref<!tpu.dma_semaphore, #tpu.memory_space<semaphore_mem>>)
      %dma_wait3A_65 = arith.constant 0 : i32
      %dma_wait3A_66 = tpu.memref_slice %arg13[%add3A_20, %dma_wait3A_65] : memref<5120x128xf32, #tpu.memory_space<vmem_shared>> -> memref<160x128xf32, #tpu.memory_space<vmem_shared>>
      %dma_wait3A_67 = arith.constant 0 : i32
      %dma_wait3A_68 = tpu.memref_slice %arg13[%add3A_20, %dma_wait3A_67] : memref<5120x128xf32, #tpu.memory_space<vmem_shared>> -> memref<160x128xf32, #tpu.memory_space<vmem_shared>>
      tpu.wait_dma2 semaphore(%run_scoped3A_60 : memref<!tpu.dma_semaphore, #tpu.memory_space<semaphore_mem>>) src(%arg11 : memref<160x128xf32, #tpu.memory_space<vmem>>) dst(%dma_wait3A_68 : memref<160x128xf32, #tpu.memory_space<vmem_shared>>)
      tpu.yield
    }) : () -> ()
    %lt3A = arith.constant 4 : i32
    %lt3A_21 = arith.cmpi slt, %arg1, %lt3A : i32
    %convert_element_type3A = arith.extui %lt3A_21 : i1 to i32
    %cond3A = arith.constant 0 : i32
    %cond3A_22 = arith.cmpi ne, %convert_element_type3A, %cond3A : i32
    scf.if %cond3A_22 {
      %mul3A_60 = arith.constant 1280 : i32
      %mul3A_61 = arith.muli %arg1, %mul3A_60 : i32
      "tpu.region"() ({
        %run_scoped3A_62 = tpu.sem_alloc : memref<!tpu.dma_semaphore, #tpu.memory_space<semaphore_mem>>
        %dma_start3A_63 = tpu.memref_slice %arg14[%mul3A_61] : memref<5120xf32, #tpu.memory_space<vmem_shared>> -> memref<1280xf32, #tpu.memory_space<vmem_shared>>
        %dma_start3A_64 = tpu.memref_slice %arg14[%mul3A_61] : memref<5120xf32, #tpu.memory_space<vmem_shared>> -> memref<1280xf32, #tpu.memory_space<vmem_shared>>
        tpu.enqueue_dma source(%arg12 : memref<1280xf32, #tpu.memory_space<vmem>>) target(%dma_start3A_64 : memref<1280xf32, #tpu.memory_space<vmem_shared>>) target_semaphore(%run_scoped3A_62 : memref<!tpu.dma_semaphore, #tpu.memory_space<semaphore_mem>>)
        %dma_wait3A_65 = tpu.memref_slice %arg14[%mul3A_61] : memref<5120xf32, #tpu.memory_space<vmem_shared>> -> memref<1280xf32, #tpu.memory_space<vmem_shared>>
        %dma_wait3A_66 = tpu.memref_slice %arg14[%mul3A_61] : memref<5120xf32, #tpu.memory_space<vmem_shared>> -> memref<1280xf32, #tpu.memory_space<vmem_shared>>
        tpu.wait_dma2 semaphore(%run_scoped3A_62 : memref<!tpu.dma_semaphore, #tpu.memory_space<semaphore_mem>>) src(%arg12 : memref<1280xf32, #tpu.memory_space<vmem>>) dst(%dma_wait3A_66 : memref<1280xf32, #tpu.memory_space<vmem_shared>>)
        tpu.yield
      }) : () -> ()
    } else {
    }
    %barrier3A = arith.constant 0 : index
    tpu.barrier barrier_id(%barrier3A)
    "tpu.region"() ({
      %run_scoped3A_60 = tpu.sem_alloc : memref<!tpu.dma_semaphore, #tpu.memory_space<semaphore_mem>>
      %dma_start3A_61 = arith.constant 0 : i32
      %dma_start3A_62 = arith.constant 0 : i32
      %dma_start3A_63 = tpu.memref_slice %arg3[%arg1, %dma_start3A_61, %dma_start3A_62] : memref<16x157x128xi32, #tpu.memory_space<hbm>> -> memref<1x157x128xi32, #tpu.memory_space<hbm>>
      %dma_start3A_64 = tpu.memref_squeeze %dma_start3A_63 : memref<1x157x128xi32, #tpu.memory_space<hbm>> -> memref<157x128xi32, #tpu.memory_space<hbm>>
      %dma_start3A_65 = arith.constant 0 : i32
      %dma_start3A_66 = arith.constant 0 : i32
      %dma_start3A_67 = tpu.memref_slice %arg3[%arg1, %dma_start3A_65, %dma_start3A_66] : memref<16x157x128xi32, #tpu.memory_space<hbm>> -> memref<1x157x128xi32, #tpu.memory_space<hbm>>
      %dma_start3A_68 = tpu.memref_squeeze %dma_start3A_67 : memref<1x157x128xi32, #tpu.memory_space<hbm>> -> memref<157x128xi32, #tpu.memory_space<hbm>>
      tpu.enqueue_dma source(%dma_start3A_68 : memref<157x128xi32, #tpu.memory_space<hbm>>) target(%arg7 : memref<157x128xi32, #tpu.memory_space<vmem>>) target_semaphore(%run_scoped3A_60 : memref<!tpu.dma_semaphore, #tpu.memory_space<semaphore_mem>>)
      %dma_wait3A_69 = arith.constant 0 : i32
      %dma_wait3A_70 = arith.constant 0 : i32
      %dma_wait3A_71 = tpu.memref_slice %arg3[%arg1, %dma_wait3A_69, %dma_wait3A_70] : memref<16x157x128xi32, #tpu.memory_space<hbm>> -> memref<1x157x128xi32, #tpu.memory_space<hbm>>
      %dma_wait3A_72 = tpu.memref_squeeze %dma_wait3A_71 : memref<1x157x128xi32, #tpu.memory_space<hbm>> -> memref<157x128xi32, #tpu.memory_space<hbm>>
      %dma_wait3A_73 = arith.constant 0 : i32
      %dma_wait3A_74 = arith.constant 0 : i32
      %dma_wait3A_75 = tpu.memref_slice %arg3[%arg1, %dma_wait3A_73, %dma_wait3A_74] : memref<16x157x128xi32, #tpu.memory_space<hbm>> -> memref<1x157x128xi32, #tpu.memory_space<hbm>>
      %dma_wait3A_76 = tpu.memref_squeeze %dma_wait3A_75 : memref<1x157x128xi32, #tpu.memory_space<hbm>> -> memref<157x128xi32, #tpu.memory_space<hbm>>
      tpu.wait_dma2 semaphore(%run_scoped3A_60 : memref<!tpu.dma_semaphore, #tpu.memory_space<semaphore_mem>>) src(%dma_wait3A_76 : memref<157x128xi32, #tpu.memory_space<hbm>>) dst(%arg7 : memref<157x128xi32, #tpu.memory_space<vmem>>)
      tpu.yield
    }) : () -> ()
    "tpu.region"() ({
      %run_scoped3A_60 = tpu.sem_alloc : memref<!tpu.dma_semaphore, #tpu.memory_space<semaphore_mem>>
      %dma_start3A_61 = arith.constant 0 : i32
      %dma_start3A_62 = arith.constant 0 : i32
      %dma_start3A_63 = tpu.memref_slice %arg4[%arg1, %dma_start3A_61, %dma_start3A_62] : memref<16x157x128xi32, #tpu.memory_space<hbm>> -> memref<1x157x128xi32, #tpu.memory_space<hbm>>
      %dma_start3A_64 = tpu.memref_squeeze %dma_start3A_63 : memref<1x157x128xi32, #tpu.memory_space<hbm>> -> memref<157x128xi32, #tpu.memory_space<hbm>>
      %dma_start3A_65 = arith.constant 0 : i32
      %dma_start3A_66 = arith.constant 0 : i32
      %dma_start3A_67 = tpu.memref_slice %arg4[%arg1, %dma_start3A_65, %dma_start3A_66] : memref<16x157x128xi32, #tpu.memory_space<hbm>> -> memref<1x157x128xi32, #tpu.memory_space<hbm>>
      %dma_start3A_68 = tpu.memref_squeeze %dma_start3A_67 : memref<1x157x128xi32, #tpu.memory_space<hbm>> -> memref<157x128xi32, #tpu.memory_space<hbm>>
      tpu.enqueue_dma source(%dma_start3A_68 : memref<157x128xi32, #tpu.memory_space<hbm>>) target(%arg8 : memref<157x128xi32, #tpu.memory_space<vmem>>) target_semaphore(%run_scoped3A_60 : memref<!tpu.dma_semaphore, #tpu.memory_space<semaphore_mem>>)
      %dma_wait3A_69 = arith.constant 0 : i32
      %dma_wait3A_70 = arith.constant 0 : i32
      %dma_wait3A_71 = tpu.memref_slice %arg4[%arg1, %dma_wait3A_69, %dma_wait3A_70] : memref<16x157x128xi32, #tpu.memory_space<hbm>> -> memref<1x157x128xi32, #tpu.memory_space<hbm>>
      %dma_wait3A_72 = tpu.memref_squeeze %dma_wait3A_71 : memref<1x157x128xi32, #tpu.memory_space<hbm>> -> memref<157x128xi32, #tpu.memory_space<hbm>>
      %dma_wait3A_73 = arith.constant 0 : i32
      %dma_wait3A_74 = arith.constant 0 : i32
      %dma_wait3A_75 = tpu.memref_slice %arg4[%arg1, %dma_wait3A_73, %dma_wait3A_74] : memref<16x157x128xi32, #tpu.memory_space<hbm>> -> memref<1x157x128xi32, #tpu.memory_space<hbm>>
      %dma_wait3A_76 = tpu.memref_squeeze %dma_wait3A_75 : memref<1x157x128xi32, #tpu.memory_space<hbm>> -> memref<157x128xi32, #tpu.memory_space<hbm>>
      tpu.wait_dma2 semaphore(%run_scoped3A_60 : memref<!tpu.dma_semaphore, #tpu.memory_space<semaphore_mem>>) src(%dma_wait3A_76 : memref<157x128xi32, #tpu.memory_space<hbm>>) dst(%arg8 : memref<157x128xi32, #tpu.memory_space<vmem>>)
      tpu.yield
    }) : () -> ()
    %mul3A_23 = arith.constant 5000 : i32
    %mul3A_24 = arith.muli %arg0, %mul3A_23 : i32
    %iota3A = tpu.iota {dimensions = array<i32: 0>} : vector<16xi32>
    %scan3A_25 = arith.constant 0 : i32
    %scan3A_26 = arith.constant 157 : i32
    %scan3A_27 = arith.addi %scan3A_25, %scan3A_26 : i32
    %scan3A_28 = arith.constant 1 : i32
    scf.for %scan3A_60 = %scan3A_25 to %scan3A_27 step %scan3A_28  : i32 {
      %mul3A_61 = arith.constant 1 : i32
      %mul3A_62 = arith.muli %scan3A_60, %mul3A_61 : i32
      %add3A_63 = arith.constant 0 : i32
      %add3A_64 = arith.addi %add3A_63, %mul3A_62 : i32
      %get3A = arith.index_cast %add3A_64 : i32 to index
      %get3A_65 = arith.constant 0 : index
      %get3A_66 = tpu.vector_load %arg8[%get3A, %get3A_65] {strides = array<i32>} : memref<157x128xi32, #tpu.memory_space<vmem>>, vector<1x16xi32>,
      %get3A_67 = vector.shape_cast %get3A_66 : vector<1x16xi32> to vector<16xi32>
      %sub3A = vector.broadcast %mul3A_24 : i32 to vector<16xi32>
      %sub3A_68 = arith.subi %get3A_67, %sub3A : vector<16xi32>
      %ge3A = arith.constant 0 : i32
      %ge3A_69 = vector.broadcast %ge3A : i32 to vector<16xi32>
      %ge3A_70 = arith.cmpi sge, %sub3A_68, %ge3A_69 : vector<16xi32>
      %lt3A_71 = arith.constant 5000 : i32
      %lt3A_72 = vector.broadcast %lt3A_71 : i32 to vector<16xi32>
      %lt3A_73 = arith.cmpi slt, %sub3A_68, %lt3A_72 : vector<16xi32>
      %and3A = arith.andi %ge3A_70, %lt3A_73 : vector<16xi1>
      %mul3A_74 = arith.constant 8 : i32
      %mul3A_75 = arith.muli %add3A_64, %mul3A_74 : i32
      %add3A_76 = arith.constant 0 : i32
      %add3A_77 = arith.addi %mul3A_75, %add3A_76 : i32
      %jit3A = arith.constant 7 : i32
      %eq3A_78 = arith.constant 0 : i32
      %eq3A_79 = arith.cmpi eq, %jit3A, %eq3A_78 : i32
      %jit3A_80 = arith.constant 1 : i32
      %select_n3A = arith.select %eq3A_79, %jit3A_80, %jit3A : i32
      %rem3A = arith.remsi %add3A_77, %select_n3A : i32
      %ne3A = arith.constant 0 : i32
      %ne3A_81 = arith.cmpi ne, %rem3A, %ne3A : i32
      %lt3A_82 = arith.constant 0 : i32
      %lt3A_83 = arith.cmpi slt, %rem3A, %lt3A_82 : i32
      %lt3A_84 = arith.constant 0 : i32
      %lt3A_85 = arith.cmpi slt, %select_n3A, %lt3A_84 : i32
      %ne3A_86 = arith.xori %lt3A_83, %lt3A_85 : i1
      %and3A_87 = arith.andi %ne3A_86, %ne3A_81 : i1
      %add3A_88 = arith.addi %rem3A, %select_n3A : i32
      %select_n3A_89 = arith.select %and3A_87, %add3A_88, %rem3A : i32
      %mul3A_90 = arith.constant 16 : i32
      %mul3A_91 = arith.muli %select_n3A_89, %mul3A_90 : i32
      %add3A_92 = arith.constant 5000 : i32
      %add3A_93 = arith.addi %add3A_92, %mul3A_91 : i32
      %add3A_94 = vector.broadcast %add3A_93 : i32 to vector<16xi32>
      %add3A_95 = arith.addi %add3A_94, %iota3A : vector<16xi32>
      %select_n3A_96 = arith.select %and3A, %sub3A_68, %add3A_95 : vector<16xi1>, vector<16xi32>
      %swap3A = arith.index_cast %add3A_64 : i32 to index
      %swap3A_97 = arith.constant 0 : index
      %swap3A_98 = tpu.vector_load %arg8[%swap3A, %swap3A_97] {strides = array<i32>} : memref<157x128xi32, #tpu.memory_space<vmem>>, vector<1x16xi32>,
      %swap3A_99 = vector.shape_cast %swap3A_98 : vector<1x16xi32> to vector<16xi32>
      %swap3A_100 = vector.shape_cast %select_n3A_96 : vector<16xi32> to vector<1x16xi32>
      tpu.vector_store %arg8[%swap3A, %swap3A_97], %swap3A_100 {strides = array<i32>} : memref<157x128xi32, #tpu.memory_space<vmem>>, vector<1x16xi32>,
      %get3A_101 = arith.index_cast %add3A_64 : i32 to index
      %get3A_102 = arith.constant 16 : index
      %get3A_103 = tpu.vector_load %arg8[%get3A_101, %get3A_102] {strides = array<i32>} : memref<157x128xi32, #tpu.memory_space<vmem>>, vector<1x16xi32>,
      %get3A_104 = vector.shape_cast %get3A_103 : vector<1x16xi32> to vector<16xi32>
      %sub3A_105 = vector.broadcast %mul3A_24 : i32 to vector<16xi32>
      %sub3A_106 = arith.subi %get3A_104, %sub3A_105 : vector<16xi32>
      %ge3A_107 = arith.constant 0 : i32
      %ge3A_108 = vector.broadcast %ge3A_107 : i32 to vector<16xi32>
      %ge3A_109 = arith.cmpi sge, %sub3A_106, %ge3A_108 : vector<16xi32>
      %lt3A_110 = arith.constant 5000 : i32
      %lt3A_111 = vector.broadcast %lt3A_110 : i32 to vector<16xi32>
      %lt3A_112 = arith.cmpi slt, %sub3A_106, %lt3A_111 : vector<16xi32>
      %and3A_113 = arith.andi %ge3A_109, %lt3A_112 : vector<16xi1>
      %mul3A_114 = arith.constant 8 : i32
      %mul3A_115 = arith.muli %add3A_64, %mul3A_114 : i32
      %add3A_116 = arith.constant 1 : i32
      %add3A_117 = arith.addi %mul3A_115, %add3A_116 : i32
      %jit3A_118 = arith.constant 7 : i32
      %eq3A_119 = arith.constant 0 : i32
      %eq3A_120 = arith.cmpi eq, %jit3A_118, %eq3A_119 : i32
      %jit3A_121 = arith.constant 1 : i32
      %select_n3A_122 = arith.select %eq3A_120, %jit3A_121, %jit3A_118 : i32
      %rem3A_123 = arith.remsi %add3A_117, %select_n3A_122 : i32
      %ne3A_124 = arith.constant 0 : i32
      %ne3A_125 = arith.cmpi ne, %rem3A_123, %ne3A_124 : i32
      %lt3A_126 = arith.constant 0 : i32
      %lt3A_127 = arith.cmpi slt, %rem3A_123, %lt3A_126 : i32
      %lt3A_128 = arith.constant 0 : i32
      %lt3A_129 = arith.cmpi slt, %select_n3A_122, %lt3A_128 : i32
      %ne3A_130 = arith.xori %lt3A_127, %lt3A_129 : i1
      %and3A_131 = arith.andi %ne3A_130, %ne3A_125 : i1
      %add3A_132 = arith.addi %rem3A_123, %select_n3A_122 : i32
      %select_n3A_133 = arith.select %and3A_131, %add3A_132, %rem3A_123 : i32
      %mul3A_134 = arith.constant 16 : i32
      %mul3A_135 = arith.muli %select_n3A_133, %mul3A_134 : i32
      %add3A_136 = arith.constant 5000 : i32
      %add3A_137 = arith.addi %add3A_136, %mul3A_135 : i32
      %add3A_138 = vector.broadcast %add3A_137 : i32 to vector<16xi32>
      %add3A_139 = arith.addi %add3A_138, %iota3A : vector<16xi32>
      %select_n3A_140 = arith.select %and3A_113, %sub3A_106, %add3A_139 : vector<16xi1>, vector<16xi32>
      %swap3A_141 = arith.index_cast %add3A_64 : i32 to index
      %swap3A_142 = arith.constant 16 : index
      %swap3A_143 = tpu.vector_load %arg8[%swap3A_141, %swap3A_142] {strides = array<i32>} : memref<157x128xi32, #tpu.memory_space<vmem>>, vector<1x16xi32>,
      %swap3A_144 = vector.shape_cast %swap3A_143 : vector<1x16xi32> to vector<16xi32>
      %swap3A_145 = vector.shape_cast %select_n3A_140 : vector<16xi32> to vector<1x16xi32>
      tpu.vector_store %arg8[%swap3A_141, %swap3A_142], %swap3A_145 {strides = array<i32>} : memref<157x128xi32, #tpu.memory_space<vmem>>, vector<1x16xi32>,
      %get3A_146 = arith.index_cast %add3A_64 : i32 to index
      %get3A_147 = arith.constant 32 : index
      %get3A_148 = tpu.vector_load %arg8[%get3A_146, %get3A_147] {strides = array<i32>} : memref<157x128xi32, #tpu.memory_space<vmem>>, vector<1x16xi32>,
      %get3A_149 = vector.shape_cast %get3A_148 : vector<1x16xi32> to vector<16xi32>
      %sub3A_150 = vector.broadcast %mul3A_24 : i32 to vector<16xi32>
      %sub3A_151 = arith.subi %get3A_149, %sub3A_150 : vector<16xi32>
      %ge3A_152 = arith.constant 0 : i32
      %ge3A_153 = vector.broadcast %ge3A_152 : i32 to vector<16xi32>
      %ge3A_154 = arith.cmpi sge, %sub3A_151, %ge3A_153 : vector<16xi32>
      %lt3A_155 = arith.constant 5000 : i32
      %lt3A_156 = vector.broadcast %lt3A_155 : i32 to vector<16xi32>
      %lt3A_157 = arith.cmpi slt, %sub3A_151, %lt3A_156 : vector<16xi32>
      %and3A_158 = arith.andi %ge3A_154, %lt3A_157 : vector<16xi1>
      %mul3A_159 = arith.constant 8 : i32
      %mul3A_160 = arith.muli %add3A_64, %mul3A_159 : i32
      %add3A_161 = arith.constant 2 : i32
      %add3A_162 = arith.addi %mul3A_160, %add3A_161 : i32
      %jit3A_163 = arith.constant 7 : i32
      %eq3A_164 = arith.constant 0 : i32
      %eq3A_165 = arith.cmpi eq, %jit3A_163, %eq3A_164 : i32
      %jit3A_166 = arith.constant 1 : i32
      %select_n3A_167 = arith.select %eq3A_165, %jit3A_166, %jit3A_163 : i32
      %rem3A_168 = arith.remsi %add3A_162, %select_n3A_167 : i32
      %ne3A_169 = arith.constant 0 : i32
      %ne3A_170 = arith.cmpi ne, %rem3A_168, %ne3A_169 : i32
      %lt3A_171 = arith.constant 0 : i32
      %lt3A_172 = arith.cmpi slt, %rem3A_168, %lt3A_171 : i32
      %lt3A_173 = arith.constant 0 : i32
      %lt3A_174 = arith.cmpi slt, %select_n3A_167, %lt3A_173 : i32
      %ne3A_175 = arith.xori %lt3A_172, %lt3A_174 : i1
      %and3A_176 = arith.andi %ne3A_175, %ne3A_170 : i1
      %add3A_177 = arith.addi %rem3A_168, %select_n3A_167 : i32
      %select_n3A_178 = arith.select %and3A_176, %add3A_177, %rem3A_168 : i32
      %mul3A_179 = arith.constant 16 : i32
      %mul3A_180 = arith.muli %select_n3A_178, %mul3A_179 : i32
      %add3A_181 = arith.constant 5000 : i32
      %add3A_182 = arith.addi %add3A_181, %mul3A_180 : i32
      %add3A_183 = vector.broadcast %add3A_182 : i32 to vector<16xi32>
      %add3A_184 = arith.addi %add3A_183, %iota3A : vector<16xi32>
      %select_n3A_185 = arith.select %and3A_158, %sub3A_151, %add3A_184 : vector<16xi1>, vector<16xi32>
      %swap3A_186 = arith.index_cast %add3A_64 : i32 to index
      %swap3A_187 = arith.constant 32 : index
      %swap3A_188 = tpu.vector_load %arg8[%swap3A_186, %swap3A_187] {strides = array<i32>} : memref<157x128xi32, #tpu.memory_space<vmem>>, vector<1x16xi32>,
      %swap3A_189 = vector.shape_cast %swap3A_188 : vector<1x16xi32> to vector<16xi32>
      %swap3A_190 = vector.shape_cast %select_n3A_185 : vector<16xi32> to vector<1x16xi32>
      tpu.vector_store %arg8[%swap3A_186, %swap3A_187], %swap3A_190 {strides = array<i32>} : memref<157x128xi32, #tpu.memory_space<vmem>>, vector<1x16xi32>,
      %get3A_191 = arith.index_cast %add3A_64 : i32 to index
      %get3A_192 = arith.constant 48 : index
      %get3A_193 = tpu.vector_load %arg8[%get3A_191, %get3A_192] {strides = array<i32>} : memref<157x128xi32, #tpu.memory_space<vmem>>, vector<1x16xi32>,
      %get3A_194 = vector.shape_cast %get3A_193 : vector<1x16xi32> to vector<16xi32>
      %sub3A_195 = vector.broadcast %mul3A_24 : i32 to vector<16xi32>
      %sub3A_196 = arith.subi %get3A_194, %sub3A_195 : vector<16xi32>
      %ge3A_197 = arith.constant 0 : i32
      %ge3A_198 = vector.broadcast %ge3A_197 : i32 to vector<16xi32>
      %ge3A_199 = arith.cmpi sge, %sub3A_196, %ge3A_198 : vector<16xi32>
      %lt3A_200 = arith.constant 5000 : i32
      %lt3A_201 = vector.broadcast %lt3A_200 : i32 to vector<16xi32>
      %lt3A_202 = arith.cmpi slt, %sub3A_196, %lt3A_201 : vector<16xi32>
      %and3A_203 = arith.andi %ge3A_199, %lt3A_202 : vector<16xi1>
      %mul3A_204 = arith.constant 8 : i32
      %mul3A_205 = arith.muli %add3A_64, %mul3A_204 : i32
      %add3A_206 = arith.constant 3 : i32
      %add3A_207 = arith.addi %mul3A_205, %add3A_206 : i32
      %jit3A_208 = arith.constant 7 : i32
      %eq3A_209 = arith.constant 0 : i32
      %eq3A_210 = arith.cmpi eq, %jit3A_208, %eq3A_209 : i32
      %jit3A_211 = arith.constant 1 : i32
      %select_n3A_212 = arith.select %eq3A_210, %jit3A_211, %jit3A_208 : i32
      %rem3A_213 = arith.remsi %add3A_207, %select_n3A_212 : i32
      %ne3A_214 = arith.constant 0 : i32
      %ne3A_215 = arith.cmpi ne, %rem3A_213, %ne3A_214 : i32
      %lt3A_216 = arith.constant 0 : i32
      %lt3A_217 = arith.cmpi slt, %rem3A_213, %lt3A_216 : i32
      %lt3A_218 = arith.constant 0 : i32
      %lt3A_219 = arith.cmpi slt, %select_n3A_212, %lt3A_218 : i32
      %ne3A_220 = arith.xori %lt3A_217, %lt3A_219 : i1
      %and3A_221 = arith.andi %ne3A_220, %ne3A_215 : i1
      %add3A_222 = arith.addi %rem3A_213, %select_n3A_212 : i32
      %select_n3A_223 = arith.select %and3A_221, %add3A_222, %rem3A_213 : i32
      %mul3A_224 = arith.constant 16 : i32
      %mul3A_225 = arith.muli %select_n3A_223, %mul3A_224 : i32
      %add3A_226 = arith.constant 5000 : i32
      %add3A_227 = arith.addi %add3A_226, %mul3A_225 : i32
      %add3A_228 = vector.broadcast %add3A_227 : i32 to vector<16xi32>
      %add3A_229 = arith.addi %add3A_228, %iota3A : vector<16xi32>
      %select_n3A_230 = arith.select %and3A_203, %sub3A_196, %add3A_229 : vector<16xi1>, vector<16xi32>
      %swap3A_231 = arith.index_cast %add3A_64 : i32 to index
      %swap3A_232 = arith.constant 48 : index
      %swap3A_233 = tpu.vector_load %arg8[%swap3A_231, %swap3A_232] {strides = array<i32>} : memref<157x128xi32, #tpu.memory_space<vmem>>, vector<1x16xi32>,
      %swap3A_234 = vector.shape_cast %swap3A_233 : vector<1x16xi32> to vector<16xi32>
      %swap3A_235 = vector.shape_cast %select_n3A_230 : vector<16xi32> to vector<1x16xi32>
      tpu.vector_store %arg8[%swap3A_231, %swap3A_232], %swap3A_235 {strides = array<i32>} : memref<157x128xi32, #tpu.memory_space<vmem>>, vector<1x16xi32>,
      %get3A_236 = arith.index_cast %add3A_64 : i32 to index
      %get3A_237 = arith.constant 64 : index
      %get3A_238 = tpu.vector_load %arg8[%get3A_236, %get3A_237] {strides = array<i32>} : memref<157x128xi32, #tpu.memory_space<vmem>>, vector<1x16xi32>,
      %get3A_239 = vector.shape_cast %get3A_238 : vector<1x16xi32> to vector<16xi32>
      %sub3A_240 = vector.broadcast %mul3A_24 : i32 to vector<16xi32>
      %sub3A_241 = arith.subi %get3A_239, %sub3A_240 : vector<16xi32>
      %ge3A_242 = arith.constant 0 : i32
      %ge3A_243 = vector.broadcast %ge3A_242 : i32 to vector<16xi32>
      %ge3A_244 = arith.cmpi sge, %sub3A_241, %ge3A_243 : vector<16xi32>
      %lt3A_245 = arith.constant 5000 : i32
      %lt3A_246 = vector.broadcast %lt3A_245 : i32 to vector<16xi32>
      %lt3A_247 = arith.cmpi slt, %sub3A_241, %lt3A_246 : vector<16xi32>
      %and3A_248 = arith.andi %ge3A_244, %lt3A_247 : vector<16xi1>
      %mul3A_249 = arith.constant 8 : i32
      %mul3A_250 = arith.muli %add3A_64, %mul3A_249 : i32
      %add3A_251 = arith.constant 4 : i32
      %add3A_252 = arith.addi %mul3A_250, %add3A_251 : i32
      %jit3A_253 = arith.constant 7 : i32
      %eq3A_254 = arith.constant 0 : i32
      %eq3A_255 = arith.cmpi eq, %jit3A_253, %eq3A_254 : i32
      %jit3A_256 = arith.constant 1 : i32
      %select_n3A_257 = arith.select %eq3A_255, %jit3A_256, %jit3A_253 : i32
      %rem3A_258 = arith.remsi %add3A_252, %select_n3A_257 : i32
      %ne3A_259 = arith.constant 0 : i32
      %ne3A_260 = arith.cmpi ne, %rem3A_258, %ne3A_259 : i32
      %lt3A_261 = arith.constant 0 : i32
      %lt3A_262 = arith.cmpi slt, %rem3A_258, %lt3A_261 : i32
      %lt3A_263 = arith.constant 0 : i32
      %lt3A_264 = arith.cmpi slt, %select_n3A_257, %lt3A_263 : i32
      %ne3A_265 = arith.xori %lt3A_262, %lt3A_264 : i1
      %and3A_266 = arith.andi %ne3A_265, %ne3A_260 : i1
      %add3A_267 = arith.addi %rem3A_258, %select_n3A_257 : i32
      %select_n3A_268 = arith.select %and3A_266, %add3A_267, %rem3A_258 : i32
      %mul3A_269 = arith.constant 16 : i32
      %mul3A_270 = arith.muli %select_n3A_268, %mul3A_269 : i32
      %add3A_271 = arith.constant 5000 : i32
      %add3A_272 = arith.addi %add3A_271, %mul3A_270 : i32
      %add3A_273 = vector.broadcast %add3A_272 : i32 to vector<16xi32>
      %add3A_274 = arith.addi %add3A_273, %iota3A : vector<16xi32>
      %select_n3A_275 = arith.select %and3A_248, %sub3A_241, %add3A_274 : vector<16xi1>, vector<16xi32>
      %swap3A_276 = arith.index_cast %add3A_64 : i32 to index
      %swap3A_277 = arith.constant 64 : index
      %swap3A_278 = tpu.vector_load %arg8[%swap3A_276, %swap3A_277] {strides = array<i32>} : memref<157x128xi32, #tpu.memory_space<vmem>>, vector<1x16xi32>,
      %swap3A_279 = vector.shape_cast %swap3A_278 : vector<1x16xi32> to vector<16xi32>
      %swap3A_280 = vector.shape_cast %select_n3A_275 : vector<16xi32> to vector<1x16xi32>
      tpu.vector_store %arg8[%swap3A_276, %swap3A_277], %swap3A_280 {strides = array<i32>} : memref<157x128xi32, #tpu.memory_space<vmem>>, vector<1x16xi32>,
      %get3A_281 = arith.index_cast %add3A_64 : i32 to index
      %get3A_282 = arith.constant 80 : index
      %get3A_283 = tpu.vector_load %arg8[%get3A_281, %get3A_282] {strides = array<i32>} : memref<157x128xi32, #tpu.memory_space<vmem>>, vector<1x16xi32>,
      %get3A_284 = vector.shape_cast %get3A_283 : vector<1x16xi32> to vector<16xi32>
      %sub3A_285 = vector.broadcast %mul3A_24 : i32 to vector<16xi32>
      %sub3A_286 = arith.subi %get3A_284, %sub3A_285 : vector<16xi32>
      %ge3A_287 = arith.constant 0 : i32
      %ge3A_288 = vector.broadcast %ge3A_287 : i32 to vector<16xi32>
      %ge3A_289 = arith.cmpi sge, %sub3A_286, %ge3A_288 : vector<16xi32>
      %lt3A_290 = arith.constant 5000 : i32
      %lt3A_291 = vector.broadcast %lt3A_290 : i32 to vector<16xi32>
      %lt3A_292 = arith.cmpi slt, %sub3A_286, %lt3A_291 : vector<16xi32>
      %and3A_293 = arith.andi %ge3A_289, %lt3A_292 : vector<16xi1>
      %mul3A_294 = arith.constant 8 : i32
      %mul3A_295 = arith.muli %add3A_64, %mul3A_294 : i32
      %add3A_296 = arith.constant 5 : i32
      %add3A_297 = arith.addi %mul3A_295, %add3A_296 : i32
      %jit3A_298 = arith.constant 7 : i32
      %eq3A_299 = arith.constant 0 : i32
      %eq3A_300 = arith.cmpi eq, %jit3A_298, %eq3A_299 : i32
      %jit3A_301 = arith.constant 1 : i32
      %select_n3A_302 = arith.select %eq3A_300, %jit3A_301, %jit3A_298 : i32
      %rem3A_303 = arith.remsi %add3A_297, %select_n3A_302 : i32
      %ne3A_304 = arith.constant 0 : i32
      %ne3A_305 = arith.cmpi ne, %rem3A_303, %ne3A_304 : i32
      %lt3A_306 = arith.constant 0 : i32
      %lt3A_307 = arith.cmpi slt, %rem3A_303, %lt3A_306 : i32
      %lt3A_308 = arith.constant 0 : i32
      %lt3A_309 = arith.cmpi slt, %select_n3A_302, %lt3A_308 : i32
      %ne3A_310 = arith.xori %lt3A_307, %lt3A_309 : i1
      %and3A_311 = arith.andi %ne3A_310, %ne3A_305 : i1
      %add3A_312 = arith.addi %rem3A_303, %select_n3A_302 : i32
      %select_n3A_313 = arith.select %and3A_311, %add3A_312, %rem3A_303 : i32
      %mul3A_314 = arith.constant 16 : i32
      %mul3A_315 = arith.muli %select_n3A_313, %mul3A_314 : i32
      %add3A_316 = arith.constant 5000 : i32
      %add3A_317 = arith.addi %add3A_316, %mul3A_315 : i32
      %add3A_318 = vector.broadcast %add3A_317 : i32 to vector<16xi32>
      %add3A_319 = arith.addi %add3A_318, %iota3A : vector<16xi32>
      %select_n3A_320 = arith.select %and3A_293, %sub3A_286, %add3A_319 : vector<16xi1>, vector<16xi32>
      %swap3A_321 = arith.index_cast %add3A_64 : i32 to index
      %swap3A_322 = arith.constant 80 : index
      %swap3A_323 = tpu.vector_load %arg8[%swap3A_321, %swap3A_322] {strides = array<i32>} : memref<157x128xi32, #tpu.memory_space<vmem>>, vector<1x16xi32>,
      %swap3A_324 = vector.shape_cast %swap3A_323 : vector<1x16xi32> to vector<16xi32>
      %swap3A_325 = vector.shape_cast %select_n3A_320 : vector<16xi32> to vector<1x16xi32>
      tpu.vector_store %arg8[%swap3A_321, %swap3A_322], %swap3A_325 {strides = array<i32>} : memref<157x128xi32, #tpu.memory_space<vmem>>, vector<1x16xi32>,
      %get3A_326 = arith.index_cast %add3A_64 : i32 to index
      %get3A_327 = arith.constant 96 : index
      %get3A_328 = tpu.vector_load %arg8[%get3A_326, %get3A_327] {strides = array<i32>} : memref<157x128xi32, #tpu.memory_space<vmem>>, vector<1x16xi32>,
      %get3A_329 = vector.shape_cast %get3A_328 : vector<1x16xi32> to vector<16xi32>
      %sub3A_330 = vector.broadcast %mul3A_24 : i32 to vector<16xi32>
      %sub3A_331 = arith.subi %get3A_329, %sub3A_330 : vector<16xi32>
      %ge3A_332 = arith.constant 0 : i32
      %ge3A_333 = vector.broadcast %ge3A_332 : i32 to vector<16xi32>
      %ge3A_334 = arith.cmpi sge, %sub3A_331, %ge3A_333 : vector<16xi32>
      %lt3A_335 = arith.constant 5000 : i32
      %lt3A_336 = vector.broadcast %lt3A_335 : i32 to vector<16xi32>
      %lt3A_337 = arith.cmpi slt, %sub3A_331, %lt3A_336 : vector<16xi32>
      %and3A_338 = arith.andi %ge3A_334, %lt3A_337 : vector<16xi1>
      %mul3A_339 = arith.constant 8 : i32
      %mul3A_340 = arith.muli %add3A_64, %mul3A_339 : i32
      %add3A_341 = arith.constant 6 : i32
      %add3A_342 = arith.addi %mul3A_340, %add3A_341 : i32
      %jit3A_343 = arith.constant 7 : i32
      %eq3A_344 = arith.constant 0 : i32
      %eq3A_345 = arith.cmpi eq, %jit3A_343, %eq3A_344 : i32
      %jit3A_346 = arith.constant 1 : i32
      %select_n3A_347 = arith.select %eq3A_345, %jit3A_346, %jit3A_343 : i32
      %rem3A_348 = arith.remsi %add3A_342, %select_n3A_347 : i32
      %ne3A_349 = arith.constant 0 : i32
      %ne3A_350 = arith.cmpi ne, %rem3A_348, %ne3A_349 : i32
      %lt3A_351 = arith.constant 0 : i32
      %lt3A_352 = arith.cmpi slt, %rem3A_348, %lt3A_351 : i32
      %lt3A_353 = arith.constant 0 : i32
      %lt3A_354 = arith.cmpi slt, %select_n3A_347, %lt3A_353 : i32
      %ne3A_355 = arith.xori %lt3A_352, %lt3A_354 : i1
      %and3A_356 = arith.andi %ne3A_355, %ne3A_350 : i1
      %add3A_357 = arith.addi %rem3A_348, %select_n3A_347 : i32
      %select_n3A_358 = arith.select %and3A_356, %add3A_357, %rem3A_348 : i32
      %mul3A_359 = arith.constant 16 : i32
      %mul3A_360 = arith.muli %select_n3A_358, %mul3A_359 : i32
      %add3A_361 = arith.constant 5000 : i32
      %add3A_362 = arith.addi %add3A_361, %mul3A_360 : i32
      %add3A_363 = vector.broadcast %add3A_362 : i32 to vector<16xi32>
      %add3A_364 = arith.addi %add3A_363, %iota3A : vector<16xi32>
      %select_n3A_365 = arith.select %and3A_338, %sub3A_331, %add3A_364 : vector<16xi1>, vector<16xi32>
      %swap3A_366 = arith.index_cast %add3A_64 : i32 to index
      %swap3A_367 = arith.constant 96 : index
      %swap3A_368 = tpu.vector_load %arg8[%swap3A_366, %swap3A_367] {strides = array<i32>} : memref<157x128xi32, #tpu.memory_space<vmem>>, vector<1x16xi32>,
      %swap3A_369 = vector.shape_cast %swap3A_368 : vector<1x16xi32> to vector<16xi32>
      %swap3A_370 = vector.shape_cast %select_n3A_365 : vector<16xi32> to vector<1x16xi32>
      tpu.vector_store %arg8[%swap3A_366, %swap3A_367], %swap3A_370 {strides = array<i32>} : memref<157x128xi32, #tpu.memory_space<vmem>>, vector<1x16xi32>,
      %get3A_371 = arith.index_cast %add3A_64 : i32 to index
      %get3A_372 = arith.constant 112 : index
      %get3A_373 = tpu.vector_load %arg8[%get3A_371, %get3A_372] {strides = array<i32>} : memref<157x128xi32, #tpu.memory_space<vmem>>, vector<1x16xi32>,
      %get3A_374 = vector.shape_cast %get3A_373 : vector<1x16xi32> to vector<16xi32>
      %sub3A_375 = vector.broadcast %mul3A_24 : i32 to vector<16xi32>
      %sub3A_376 = arith.subi %get3A_374, %sub3A_375 : vector<16xi32>
      %ge3A_377 = arith.constant 0 : i32
      %ge3A_378 = vector.broadcast %ge3A_377 : i32 to vector<16xi32>
      %ge3A_379 = arith.cmpi sge, %sub3A_376, %ge3A_378 : vector<16xi32>
      %lt3A_380 = arith.constant 5000 : i32
      %lt3A_381 = vector.broadcast %lt3A_380 : i32 to vector<16xi32>
      %lt3A_382 = arith.cmpi slt, %sub3A_376, %lt3A_381 : vector<16xi32>
      %and3A_383 = arith.andi %ge3A_379, %lt3A_382 : vector<16xi1>
      %mul3A_384 = arith.constant 8 : i32
      %mul3A_385 = arith.muli %add3A_64, %mul3A_384 : i32
      %add3A_386 = arith.constant 7 : i32
      %add3A_387 = arith.addi %mul3A_385, %add3A_386 : i32
      %jit3A_388 = arith.constant 7 : i32
      %eq3A_389 = arith.constant 0 : i32
      %eq3A_390 = arith.cmpi eq, %jit3A_388, %eq3A_389 : i32
      %jit3A_391 = arith.constant 1 : i32
      %select_n3A_392 = arith.select %eq3A_390, %jit3A_391, %jit3A_388 : i32
      %rem3A_393 = arith.remsi %add3A_387, %select_n3A_392 : i32
      %ne3A_394 = arith.constant 0 : i32
      %ne3A_395 = arith.cmpi ne, %rem3A_393, %ne3A_394 : i32
      %lt3A_396 = arith.constant 0 : i32
      %lt3A_397 = arith.cmpi slt, %rem3A_393, %lt3A_396 : i32
      %lt3A_398 = arith.constant 0 : i32
      %lt3A_399 = arith.cmpi slt, %select_n3A_392, %lt3A_398 : i32
      %ne3A_400 = arith.xori %lt3A_397, %lt3A_399 : i1
      %and3A_401 = arith.andi %ne3A_400, %ne3A_395 : i1
      %add3A_402 = arith.addi %rem3A_393, %select_n3A_392 : i32
      %select_n3A_403 = arith.select %and3A_401, %add3A_402, %rem3A_393 : i32
      %mul3A_404 = arith.constant 16 : i32
      %mul3A_405 = arith.muli %select_n3A_403, %mul3A_404 : i32
      %add3A_406 = arith.constant 5000 : i32
      %add3A_407 = arith.addi %add3A_406, %mul3A_405 : i32
      %add3A_408 = vector.broadcast %add3A_407 : i32 to vector<16xi32>
      %add3A_409 = arith.addi %add3A_408, %iota3A : vector<16xi32>
      %select_n3A_410 = arith.select %and3A_383, %sub3A_376, %add3A_409 : vector<16xi1>, vector<16xi32>
      %swap3A_411 = arith.index_cast %add3A_64 : i32 to index
      %swap3A_412 = arith.constant 112 : index
      %swap3A_413 = tpu.vector_load %arg8[%swap3A_411, %swap3A_412] {strides = array<i32>} : memref<157x128xi32, #tpu.memory_space<vmem>>, vector<1x16xi32>,
      %swap3A_414 = vector.shape_cast %swap3A_413 : vector<1x16xi32> to vector<16xi32>
      %swap3A_415 = vector.shape_cast %select_n3A_410 : vector<16xi32> to vector<1x16xi32>
      tpu.vector_store %arg8[%swap3A_411, %swap3A_412], %swap3A_415 {strides = array<i32>} : memref<157x128xi32, #tpu.memory_space<vmem>>, vector<1x16xi32>,
    }
    %scan3A_29 = arith.constant 157 : i32
    %dma_start3A = arith.constant 0 : i32
    %dma_start3A_30 = arith.constant 0 : i32
    %dma_start3A_31 = tpu.memref_slice %arg7[%dma_start3A, %dma_start3A_30] : memref<157x128xi32, #tpu.memory_space<vmem>> -> memref<1x128xi32, #tpu.memory_space<vmem>>
    %dma_start3A_32 = tpu.memref_squeeze %dma_start3A_31 : memref<1x128xi32, #tpu.memory_space<vmem>> -> memref<128xi32, #tpu.memory_space<vmem>>
    %dma_start3A_33 = arith.constant 0 : i32
    %dma_start3A_34 = arith.constant 0 : i32
    %dma_start3A_35 = tpu.memref_slice %arg2[%dma_start3A_33, %dma_start3A_34] : memref<10000x128xf32, #tpu.memory_space<hbm>> -> memref<10000x128xf32, #tpu.memory_space<hbm>>
    tpu.enqueue_indirect_dma source(%dma_start3A_35 : memref<10000x128xf32, #tpu.memory_space<hbm>>) target(%arg9 : memref<128x128xf32, #tpu.memory_space<vmem>>) offsets(%dma_start3A_32 : memref<128xi32, #tpu.memory_space<vmem>>) semaphore(%arg15 : memref<!tpu.dma_semaphore, #tpu.memory_space<semaphore_mem>>)
    %scan3A_36 = arith.constant 0 : i32
    %scan3A_37 = arith.constant 78 : i32
    %scan3A_38 = arith.addi %scan3A_36, %scan3A_37 : i32
    %scan3A_39 = arith.constant 1 : i32
    scf.for %scan3A_60 = %scan3A_36 to %scan3A_38 step %scan3A_39  : i32 {
      %mul3A_61 = arith.constant 2 : i32
      %mul3A_62 = arith.muli %scan3A_60, %mul3A_61 : i32
      %add3A_63 = arith.constant 0 : i32
      %add3A_64 = arith.addi %add3A_63, %mul3A_62 : i32
      %add3A_65 = arith.constant 1 : i32
      %add3A_66 = arith.addi %add3A_64, %add3A_65 : i32
      %dma_start3A_67 = arith.constant 0 : i32
      %dma_start3A_68 = arith.constant 0 : i32
      %dma_start3A_69 = tpu.memref_slice %arg11[%dma_start3A_67, %dma_start3A_68] : memref<160x128xf32, #tpu.memory_space<vmem>> -> memref<128x128xf32, #tpu.memory_space<vmem>>
      %dma_start3A_70 = arith.constant 0 : i32
      %dma_start3A_71 = tpu.memref_slice %arg7[%add3A_66, %dma_start3A_70] : memref<157x128xi32, #tpu.memory_space<vmem>> -> memref<1x128xi32, #tpu.memory_space<vmem>>
      %dma_start3A_72 = tpu.memref_squeeze %dma_start3A_71 : memref<1x128xi32, #tpu.memory_space<vmem>> -> memref<128xi32, #tpu.memory_space<vmem>>
      %dma_start3A_73 = arith.constant 0 : i32
      %dma_start3A_74 = arith.constant 0 : i32
      %dma_start3A_75 = tpu.memref_slice %arg2[%dma_start3A_73, %dma_start3A_74] : memref<10000x128xf32, #tpu.memory_space<hbm>> -> memref<10000x128xf32, #tpu.memory_space<hbm>>
      tpu.enqueue_indirect_dma source(%dma_start3A_75 : memref<10000x128xf32, #tpu.memory_space<hbm>>) target(%dma_start3A_69 : memref<128x128xf32, #tpu.memory_space<vmem>>) offsets(%dma_start3A_72 : memref<128xi32, #tpu.memory_space<vmem>>) semaphore(%arg16 : memref<!tpu.dma_semaphore, #tpu.memory_space<semaphore_mem>>)
      %dma_wait3A_76 = arith.constant 0 : i32
      %dma_wait3A_77 = tpu.memref_slice %arg7[%add3A_64, %dma_wait3A_76] : memref<157x128xi32, #tpu.memory_space<vmem>> -> memref<1x128xi32, #tpu.memory_space<vmem>>
      %dma_wait3A_78 = tpu.memref_squeeze %dma_wait3A_77 : memref<1x128xi32, #tpu.memory_space<vmem>> -> memref<128xi32, #tpu.memory_space<vmem>>
      %dma_wait3A_79 = arith.constant 0 : i32
      %dma_wait3A_80 = arith.constant 0 : i32
      %dma_wait3A_81 = tpu.memref_slice %arg2[%dma_wait3A_79, %dma_wait3A_80] : memref<10000x128xf32, #tpu.memory_space<hbm>> -> memref<10000x128xf32, #tpu.memory_space<hbm>>
      tpu.wait_indirect_dma semaphore(%arg15 : memref<!tpu.dma_semaphore, #tpu.memory_space<semaphore_mem>>) src(%dma_wait3A_81 : memref<10000x128xf32, #tpu.memory_space<hbm>>) dst(%arg9 : memref<128x128xf32, #tpu.memory_space<vmem>>)
      "tpu.region"() ({
        %run_scoped3A_105 = tpu.sem_alloc : memref<!tpu.dma_semaphore, #tpu.memory_space<semaphore_mem>>
        %dma_start3A_106 = arith.constant 0 : i32
        %dma_start3A_107 = tpu.memref_slice %arg8[%add3A_64, %dma_start3A_106] : memref<157x128xi32, #tpu.memory_space<vmem>> -> memref<1x128xi32, #tpu.memory_space<vmem>>
        %dma_start3A_108 = tpu.memref_squeeze %dma_start3A_107 : memref<1x128xi32, #tpu.memory_space<vmem>> -> memref<128xi32, #tpu.memory_space<vmem>>
        %dma_start3A_109 = arith.constant 0 : i32
        %dma_start3A_110 = arith.constant 0 : i32
        %dma_start3A_111 = tpu.memref_slice %arg13[%dma_start3A_109, %dma_start3A_110] : memref<5120x128xf32, #tpu.memory_space<vmem_shared>> -> memref<5120x128xf32, #tpu.memory_space<vmem_shared>>
        tpu.enqueue_indirect_dma source(%arg9 : memref<128x128xf32, #tpu.memory_space<vmem>>) target(%dma_start3A_111 : memref<5120x128xf32, #tpu.memory_space<vmem_shared>>) offsets(%dma_start3A_108 : memref<128xi32, #tpu.memory_space<vmem>>) semaphore(%run_scoped3A_105 : memref<!tpu.dma_semaphore, #tpu.memory_space<semaphore_mem>>) {add = true}
        %dma_wait3A_112 = arith.constant 0 : i32
        %dma_wait3A_113 = tpu.memref_slice %arg8[%add3A_64, %dma_wait3A_112] : memref<157x128xi32, #tpu.memory_space<vmem>> -> memref<1x128xi32, #tpu.memory_space<vmem>>
        %dma_wait3A_114 = tpu.memref_squeeze %dma_wait3A_113 : memref<1x128xi32, #tpu.memory_space<vmem>> -> memref<128xi32, #tpu.memory_space<vmem>>
        %dma_wait3A_115 = arith.constant 0 : i32
        %dma_wait3A_116 = arith.constant 0 : i32
        %dma_wait3A_117 = tpu.memref_slice %arg13[%dma_wait3A_115, %dma_wait3A_116] : memref<5120x128xf32, #tpu.memory_space<vmem_shared>> -> memref<5120x128xf32, #tpu.memory_space<vmem_shared>>
        tpu.wait_indirect_dma semaphore(%run_scoped3A_105 : memref<!tpu.dma_semaphore, #tpu.memory_space<semaphore_mem>>) src(%arg9 : memref<128x128xf32, #tpu.memory_space<vmem>>) dst(%dma_wait3A_117 : memref<5120x128xf32, #tpu.memory_space<vmem_shared>>)
        tpu.yield
      }) : () -> ()
      "tpu.region"() ({
        %run_scoped3A_105 = tpu.sem_alloc : memref<!tpu.dma_semaphore, #tpu.memory_space<semaphore_mem>>
        %dma_start3A_106 = arith.constant 0 : i32
        %dma_start3A_107 = tpu.memref_slice %arg8[%add3A_64, %dma_start3A_106] : memref<157x128xi32, #tpu.memory_space<vmem>> -> memref<1x128xi32, #tpu.memory_space<vmem>>
        %dma_start3A_108 = tpu.memref_squeeze %dma_start3A_107 : memref<1x128xi32, #tpu.memory_space<vmem>> -> memref<128xi32, #tpu.memory_space<vmem>>
        %dma_start3A_109 = arith.constant 0 : i32
        %dma_start3A_110 = tpu.memref_slice %arg14[%dma_start3A_109] : memref<5120xf32, #tpu.memory_space<vmem_shared>> -> memref<5120xf32, #tpu.memory_space<vmem_shared>>
        tpu.enqueue_indirect_dma source(%arg10 : memref<128xf32, #tpu.memory_space<vmem>>) target(%dma_start3A_110 : memref<5120xf32, #tpu.memory_space<vmem_shared>>) offsets(%dma_start3A_108 : memref<128xi32, #tpu.memory_space<vmem>>) semaphore(%run_scoped3A_105 : memref<!tpu.dma_semaphore, #tpu.memory_space<semaphore_mem>>) {add = true}
        %dma_wait3A_111 = arith.constant 0 : i32
        %dma_wait3A_112 = tpu.memref_slice %arg8[%add3A_64, %dma_wait3A_111] : memref<157x128xi32, #tpu.memory_space<vmem>> -> memref<1x128xi32, #tpu.memory_space<vmem>>
        %dma_wait3A_113 = tpu.memref_squeeze %dma_wait3A_112 : memref<1x128xi32, #tpu.memory_space<vmem>> -> memref<128xi32, #tpu.memory_space<vmem>>
        %dma_wait3A_114 = arith.constant 0 : i32
        %dma_wait3A_115 = tpu.memref_slice %arg14[%dma_wait3A_114] : memref<5120xf32, #tpu.memory_space<vmem_shared>> -> memref<5120xf32, #tpu.memory_space<vmem_shared>>
        tpu.wait_indirect_dma semaphore(%run_scoped3A_105 : memref<!tpu.dma_semaphore, #tpu.memory_space<semaphore_mem>>) src(%arg10 : memref<128xf32, #tpu.memory_space<vmem>>) dst(%dma_wait3A_115 : memref<5120xf32, #tpu.memory_space<vmem_shared>>)
        tpu.yield
      }) : () -> ()
      %add3A_82 = arith.constant 2 : i32
      %add3A_83 = arith.addi %add3A_64, %add3A_82 : i32
      %dma_start3A_84 = arith.constant 0 : i32
      %dma_start3A_85 = tpu.memref_slice %arg7[%add3A_83, %dma_start3A_84] : memref<157x128xi32, #tpu.memory_space<vmem>> -> memref<1x128xi32, #tpu.memory_space<vmem>>
      %dma_start3A_86 = tpu.memref_squeeze %dma_start3A_85 : memref<1x128xi32, #tpu.memory_space<vmem>> -> memref<128xi32, #tpu.memory_space<vmem>>
      %dma_start3A_87 = arith.constant 0 : i32
      %dma_start3A_88 = arith.constant 0 : i32
      %dma_start3A_89 = tpu.memref_slice %arg2[%dma_start3A_87, %dma_start3A_88] : memref<10000x128xf32, #tpu.memory_space<hbm>> -> memref<10000x128xf32, #tpu.memory_space<hbm>>
      tpu.enqueue_indirect_dma source(%dma_start3A_89 : memref<10000x128xf32, #tpu.memory_space<hbm>>) target(%arg9 : memref<128x128xf32, #tpu.memory_space<vmem>>) offsets(%dma_start3A_86 : memref<128xi32, #tpu.memory_space<vmem>>) semaphore(%arg15 : memref<!tpu.dma_semaphore, #tpu.memory_space<semaphore_mem>>)
      %add3A_90 = arith.constant 1 : i32
      %add3A_91 = arith.addi %add3A_64, %add3A_90 : i32
      %dma_wait3A_92 = arith.constant 0 : i32
      %dma_wait3A_93 = arith.constant 0 : i32
      %dma_wait3A_94 = tpu.memref_slice %arg11[%dma_wait3A_92, %dma_wait3A_93] : memref<160x128xf32, #tpu.memory_space<vmem>> -> memref<128x128xf32, #tpu.memory_space<vmem>>
      %dma_wait3A_95 = arith.constant 0 : i32
      %dma_wait3A_96 = tpu.memref_slice %arg7[%add3A_91, %dma_wait3A_95] : memref<157x128xi32, #tpu.memory_space<vmem>> -> memref<1x128xi32, #tpu.memory_space<vmem>>
      %dma_wait3A_97 = tpu.memref_squeeze %dma_wait3A_96 : memref<1x128xi32, #tpu.memory_space<vmem>> -> memref<128xi32, #tpu.memory_space<vmem>>
      %dma_wait3A_98 = arith.constant 0 : i32
      %dma_wait3A_99 = arith.constant 0 : i32
      %dma_wait3A_100 = tpu.memref_slice %arg2[%dma_wait3A_98, %dma_wait3A_99] : memref<10000x128xf32, #tpu.memory_space<hbm>> -> memref<10000x128xf32, #tpu.memory_space<hbm>>
      tpu.wait_indirect_dma semaphore(%arg16 : memref<!tpu.dma_semaphore, #tpu.memory_space<semaphore_mem>>) src(%dma_wait3A_100 : memref<10000x128xf32, #tpu.memory_space<hbm>>) dst(%dma_wait3A_94 : memref<128x128xf32, #tpu.memory_space<vmem>>)
      %add3A_101 = arith.constant 1 : i32
      %add3A_102 = arith.addi %add3A_64, %add3A_101 : i32
      "tpu.region"() ({
        %run_scoped3A_105 = tpu.sem_alloc : memref<!tpu.dma_semaphore, #tpu.memory_space<semaphore_mem>>
        %dma_start3A_106 = arith.constant 0 : i32
        %dma_start3A_107 = arith.constant 0 : i32
        %dma_start3A_108 = tpu.memref_slice %arg11[%dma_start3A_106, %dma_start3A_107] : memref<160x128xf32, #tpu.memory_space<vmem>> -> memref<128x128xf32, #tpu.memory_space<vmem>>
        %dma_start3A_109 = arith.constant 0 : i32
        %dma_start3A_110 = tpu.memref_slice %arg8[%add3A_102, %dma_start3A_109] : memref<157x128xi32, #tpu.memory_space<vmem>> -> memref<1x128xi32, #tpu.memory_space<vmem>>
        %dma_start3A_111 = tpu.memref_squeeze %dma_start3A_110 : memref<1x128xi32, #tpu.memory_space<vmem>> -> memref<128xi32, #tpu.memory_space<vmem>>
        %dma_start3A_112 = arith.constant 0 : i32
        %dma_start3A_113 = arith.constant 0 : i32
        %dma_start3A_114 = tpu.memref_slice %arg13[%dma_start3A_112, %dma_start3A_113] : memref<5120x128xf32, #tpu.memory_space<vmem_shared>> -> memref<5120x128xf32, #tpu.memory_space<vmem_shared>>
        tpu.enqueue_indirect_dma source(%dma_start3A_108 : memref<128x128xf32, #tpu.memory_space<vmem>>) target(%dma_start3A_114 : memref<5120x128xf32, #tpu.memory_space<vmem_shared>>) offsets(%dma_start3A_111 : memref<128xi32, #tpu.memory_space<vmem>>) semaphore(%run_scoped3A_105 : memref<!tpu.dma_semaphore, #tpu.memory_space<semaphore_mem>>) {add = true}
        %dma_wait3A_115 = arith.constant 0 : i32
        %dma_wait3A_116 = arith.constant 0 : i32
        %dma_wait3A_117 = tpu.memref_slice %arg11[%dma_wait3A_115, %dma_wait3A_116] : memref<160x128xf32, #tpu.memory_space<vmem>> -> memref<128x128xf32, #tpu.memory_space<vmem>>
        %dma_wait3A_118 = arith.constant 0 : i32
        %dma_wait3A_119 = tpu.memref_slice %arg8[%add3A_102, %dma_wait3A_118] : memref<157x128xi32, #tpu.memory_space<vmem>> -> memref<1x128xi32, #tpu.memory_space<vmem>>
        %dma_wait3A_120 = tpu.memref_squeeze %dma_wait3A_119 : memref<1x128xi32, #tpu.memory_space<vmem>> -> memref<128xi32, #tpu.memory_space<vmem>>
        %dma_wait3A_121 = arith.constant 0 : i32
        %dma_wait3A_122 = arith.constant 0 : i32
        %dma_wait3A_123 = tpu.memref_slice %arg13[%dma_wait3A_121, %dma_wait3A_122] : memref<5120x128xf32, #tpu.memory_space<vmem_shared>> -> memref<5120x128xf32, #tpu.memory_space<vmem_shared>>
        tpu.wait_indirect_dma semaphore(%run_scoped3A_105 : memref<!tpu.dma_semaphore, #tpu.memory_space<semaphore_mem>>) src(%dma_wait3A_117 : memref<128x128xf32, #tpu.memory_space<vmem>>) dst(%dma_wait3A_123 : memref<5120x128xf32, #tpu.memory_space<vmem_shared>>)
        tpu.yield
      }) : () -> ()
      %add3A_103 = arith.constant 1 : i32
      %add3A_104 = arith.addi %add3A_64, %add3A_103 : i32
      "tpu.region"() ({
        %run_scoped3A_105 = tpu.sem_alloc : memref<!tpu.dma_semaphore, #tpu.memory_space<semaphore_mem>>
        %dma_start3A_106 = arith.constant 0 : i32
        %dma_start3A_107 = tpu.memref_slice %arg8[%add3A_104, %dma_start3A_106] : memref<157x128xi32, #tpu.memory_space<vmem>> -> memref<1x128xi32, #tpu.memory_space<vmem>>
        %dma_start3A_108 = tpu.memref_squeeze %dma_start3A_107 : memref<1x128xi32, #tpu.memory_space<vmem>> -> memref<128xi32, #tpu.memory_space<vmem>>
        %dma_start3A_109 = arith.constant 0 : i32
        %dma_start3A_110 = tpu.memref_slice %arg14[%dma_start3A_109] : memref<5120xf32, #tpu.memory_space<vmem_shared>> -> memref<5120xf32, #tpu.memory_space<vmem_shared>>
        tpu.enqueue_indirect_dma source(%arg10 : memref<128xf32, #tpu.memory_space<vmem>>) target(%dma_start3A_110 : memref<5120xf32, #tpu.memory_space<vmem_shared>>) offsets(%dma_start3A_108 : memref<128xi32, #tpu.memory_space<vmem>>) semaphore(%run_scoped3A_105 : memref<!tpu.dma_semaphore, #tpu.memory_space<semaphore_mem>>) {add = true}
        %dma_wait3A_111 = arith.constant 0 : i32
        %dma_wait3A_112 = tpu.memref_slice %arg8[%add3A_104, %dma_wait3A_111] : memref<157x128xi32, #tpu.memory_space<vmem>> -> memref<1x128xi32, #tpu.memory_space<vmem>>
        %dma_wait3A_113 = tpu.memref_squeeze %dma_wait3A_112 : memref<1x128xi32, #tpu.memory_space<vmem>> -> memref<128xi32, #tpu.memory_space<vmem>>
        %dma_wait3A_114 = arith.constant 0 : i32
        %dma_wait3A_115 = tpu.memref_slice %arg14[%dma_wait3A_114] : memref<5120xf32, #tpu.memory_space<vmem_shared>> -> memref<5120xf32, #tpu.memory_space<vmem_shared>>
        tpu.wait_indirect_dma semaphore(%run_scoped3A_105 : memref<!tpu.dma_semaphore, #tpu.memory_space<semaphore_mem>>) src(%arg10 : memref<128xf32, #tpu.memory_space<vmem>>) dst(%dma_wait3A_115 : memref<5120xf32, #tpu.memory_space<vmem_shared>>)
        tpu.yield
      }) : () -> ()
    }
    %scan3A_40 = arith.constant 78 : i32
    %dma_wait3A = arith.constant 156 : i32
    %dma_wait3A_41 = arith.constant 0 : i32
    %dma_wait3A_42 = tpu.memref_slice %arg7[%dma_wait3A, %dma_wait3A_41] : memref<157x128xi32, #tpu.memory_space<vmem>> -> memref<1x128xi32, #tpu.memory_space<vmem>>
    %dma_wait3A_43 = tpu.memref_squeeze %dma_wait3A_42 : memref<1x128xi32, #tpu.memory_space<vmem>> -> memref<128xi32, #tpu.memory_space<vmem>>
    %dma_wait3A_44 = arith.constant 0 : i32
    %dma_wait3A_45 = arith.constant 0 : i32
    %dma_wait3A_46 = tpu.memref_slice %arg2[%dma_wait3A_44, %dma_wait3A_45] : memref<10000x128xf32, #tpu.memory_space<hbm>> -> memref<10000x128xf32, #tpu.memory_space<hbm>>
    tpu.wait_indirect_dma semaphore(%arg15 : memref<!tpu.dma_semaphore, #tpu.memory_space<semaphore_mem>>) src(%dma_wait3A_46 : memref<10000x128xf32, #tpu.memory_space<hbm>>) dst(%arg9 : memref<128x128xf32, #tpu.memory_space<vmem>>)
    %run_scoped3A = arith.constant 156 : i32
    "tpu.region"() ({
      %run_scoped3A_60 = tpu.sem_alloc : memref<!tpu.dma_semaphore, #tpu.memory_space<semaphore_mem>>
      %dma_start3A_61 = arith.constant 0 : i32
      %dma_start3A_62 = tpu.memref_slice %arg8[%run_scoped3A, %dma_start3A_61] : memref<157x128xi32, #tpu.memory_space<vmem>> -> memref<1x128xi32, #tpu.memory_space<vmem>>
      %dma_start3A_63 = tpu.memref_squeeze %dma_start3A_62 : memref<1x128xi32, #tpu.memory_space<vmem>> -> memref<128xi32, #tpu.memory_space<vmem>>
      %dma_start3A_64 = arith.constant 0 : i32
      %dma_start3A_65 = arith.constant 0 : i32
      %dma_start3A_66 = tpu.memref_slice %arg13[%dma_start3A_64, %dma_start3A_65] : memref<5120x128xf32, #tpu.memory_space<vmem_shared>> -> memref<5120x128xf32, #tpu.memory_space<vmem_shared>>
      tpu.enqueue_indirect_dma source(%arg9 : memref<128x128xf32, #tpu.memory_space<vmem>>) target(%dma_start3A_66 : memref<5120x128xf32, #tpu.memory_space<vmem_shared>>) offsets(%dma_start3A_63 : memref<128xi32, #tpu.memory_space<vmem>>) semaphore(%run_scoped3A_60 : memref<!tpu.dma_semaphore, #tpu.memory_space<semaphore_mem>>) {add = true}
      %dma_wait3A_67 = arith.constant 0 : i32
      %dma_wait3A_68 = tpu.memref_slice %arg8[%run_scoped3A, %dma_wait3A_67] : memref<157x128xi32, #tpu.memory_space<vmem>> -> memref<1x128xi32, #tpu.memory_space<vmem>>
      %dma_wait3A_69 = tpu.memref_squeeze %dma_wait3A_68 : memref<1x128xi32, #tpu.memory_space<vmem>> -> memref<128xi32, #tpu.memory_space<vmem>>
      %dma_wait3A_70 = arith.constant 0 : i32
      %dma_wait3A_71 = arith.constant 0 : i32
      %dma_wait3A_72 = tpu.memref_slice %arg13[%dma_wait3A_70, %dma_wait3A_71] : memref<5120x128xf32, #tpu.memory_space<vmem_shared>> -> memref<5120x128xf32, #tpu.memory_space<vmem_shared>>
      tpu.wait_indirect_dma semaphore(%run_scoped3A_60 : memref<!tpu.dma_semaphore, #tpu.memory_space<semaphore_mem>>) src(%arg9 : memref<128x128xf32, #tpu.memory_space<vmem>>) dst(%dma_wait3A_72 : memref<5120x128xf32, #tpu.memory_space<vmem_shared>>)
      tpu.yield
    }) : () -> ()
    %run_scoped3A_47 = arith.constant 156 : i32
    "tpu.region"() ({
      %run_scoped3A_60 = tpu.sem_alloc : memref<!tpu.dma_semaphore, #tpu.memory_space<semaphore_mem>>
      %dma_start3A_61 = arith.constant 0 : i32
      %dma_start3A_62 = tpu.memref_slice %arg8[%run_scoped3A_47, %dma_start3A_61] : memref<157x128xi32, #tpu.memory_space<vmem>> -> memref<1x128xi32, #tpu.memory_space<vmem>>
      %dma_start3A_63 = tpu.memref_squeeze %dma_start3A_62 : memref<1x128xi32, #tpu.memory_space<vmem>> -> memref<128xi32, #tpu.memory_space<vmem>>
      %dma_start3A_64 = arith.constant 0 : i32
      %dma_start3A_65 = tpu.memref_slice %arg14[%dma_start3A_64] : memref<5120xf32, #tpu.memory_space<vmem_shared>> -> memref<5120xf32, #tpu.memory_space<vmem_shared>>
      tpu.enqueue_indirect_dma source(%arg10 : memref<128xf32, #tpu.memory_space<vmem>>) target(%dma_start3A_65 : memref<5120xf32, #tpu.memory_space<vmem_shared>>) offsets(%dma_start3A_63 : memref<128xi32, #tpu.memory_space<vmem>>) semaphore(%run_scoped3A_60 : memref<!tpu.dma_semaphore, #tpu.memory_space<semaphore_mem>>) {add = true}
      %dma_wait3A_66 = arith.constant 0 : i32
      %dma_wait3A_67 = tpu.memref_slice %arg8[%run_scoped3A_47, %dma_wait3A_66] : memref<157x128xi32, #tpu.memory_space<vmem>> -> memref<1x128xi32, #tpu.memory_space<vmem>>
      %dma_wait3A_68 = tpu.memref_squeeze %dma_wait3A_67 : memref<1x128xi32, #tpu.memory_space<vmem>> -> memref<128xi32, #tpu.memory_space<vmem>>
      %dma_wait3A_69 = arith.constant 0 : i32
      %dma_wait3A_70 = tpu.memref_slice %arg14[%dma_wait3A_69] : memref<5120xf32, #tpu.memory_space<vmem_shared>> -> memref<5120xf32, #tpu.memory_space<vmem_shared>>
      tpu.wait_indirect_dma semaphore(%run_scoped3A_60 : memref<!tpu.dma_semaphore, #tpu.memory_space<semaphore_mem>>) src(%arg10 : memref<128xf32, #tpu.memory_space<vmem>>) dst(%dma_wait3A_70 : memref<5120xf32, #tpu.memory_space<vmem_shared>>)
      tpu.yield
    }) : () -> ()
    %barrier3A_48 = arith.constant 0 : index
    tpu.barrier barrier_id(%barrier3A_48)
    %mul3A_49 = arith.constant 5000 : i32
    %mul3A_50 = arith.muli %arg0, %mul3A_49 : i32
    %mul3A_51 = arith.constant 312 : i32
    %mul3A_52 = arith.muli %arg1, %mul3A_51 : i32
    %add3A_53 = arith.addi %mul3A_50, %mul3A_52 : i32
    %mul3A_54 = arith.constant 312 : i32
    %mul3A_55 = arith.muli %arg1, %mul3A_54 : i32
    "tpu.region"() ({
      %run_scoped3A_60 = tpu.sem_alloc : memref<!tpu.dma_semaphore, #tpu.memory_space<semaphore_mem>>
      %dma_start3A_61 = arith.constant 0 : i32
      %dma_start3A_62 = tpu.memref_slice %arg5[%add3A_53, %dma_start3A_61] : memref<10240x128xf32, #tpu.memory_space<hbm>> -> memref<312x128xf32, #tpu.memory_space<hbm>>
      %dma_start3A_63 = arith.constant 0 : i32
      %dma_start3A_64 = tpu.memref_slice %arg13[%mul3A_55, %dma_start3A_63] : memref<5120x128xf32, #tpu.memory_space<vmem_shared>> -> memref<312x128xf32, #tpu.memory_space<vmem_shared>>
      tpu.enqueue_dma source(%dma_start3A_64 : memref<312x128xf32, #tpu.memory_space<vmem_shared>>) target(%dma_start3A_62 : memref<312x128xf32, #tpu.memory_space<hbm>>) target_semaphore(%run_scoped3A_60 : memref<!tpu.dma_semaphore, #tpu.memory_space<semaphore_mem>>)
      %dma_wait3A_65 = arith.constant 0 : i32
      %dma_wait3A_66 = tpu.memref_slice %arg5[%add3A_53, %dma_wait3A_65] : memref<10240x128xf32, #tpu.memory_space<hbm>> -> memref<312x128xf32, #tpu.memory_space<hbm>>
      %dma_wait3A_67 = arith.constant 0 : i32
      %dma_wait3A_68 = tpu.memref_slice %arg13[%mul3A_55, %dma_wait3A_67] : memref<5120x128xf32, #tpu.memory_space<vmem_shared>> -> memref<312x128xf32, #tpu.memory_space<vmem_shared>>
      tpu.wait_dma2 semaphore(%run_scoped3A_60 : memref<!tpu.dma_semaphore, #tpu.memory_space<semaphore_mem>>) src(%dma_wait3A_68 : memref<312x128xf32, #tpu.memory_space<vmem_shared>>) dst(%dma_wait3A_66 : memref<312x128xf32, #tpu.memory_space<hbm>>)
      tpu.yield
    }) : () -> ()
    %eq3A = arith.constant 0 : i32
    %eq3A_56 = arith.cmpi eq, %arg1, %eq3A : i32
    %convert_element_type3A_57 = arith.extui %eq3A_56 : i1 to i32
    %cond3A_58 = arith.constant 0 : i32
    %cond3A_59 = arith.cmpi ne, %convert_element_type3A_57, %cond3A_58 : i32
    scf.if %cond3A_59 {
      %add3A_60 = arith.constant 4992 : i32
      %add3A_61 = arith.addi %mul3A_24, %add3A_60 : i32
      "tpu.region"() ({
        %run_scoped3A_62 = tpu.sem_alloc : memref<!tpu.dma_semaphore, #tpu.memory_space<semaphore_mem>>
        %dma_start3A_63 = arith.constant 0 : i32
        %dma_start3A_64 = tpu.memref_slice %arg5[%add3A_61, %dma_start3A_63] : memref<10240x128xf32, #tpu.memory_space<hbm>> -> memref<8x128xf32, #tpu.memory_space<hbm>>
        %dma_start3A_65 = arith.constant 4992 : i32
        %dma_start3A_66 = arith.constant 0 : i32
        %dma_start3A_67 = tpu.memref_slice %arg13[%dma_start3A_65, %dma_start3A_66] : memref<5120x128xf32, #tpu.memory_space<vmem_shared>> -> memref<8x128xf32, #tpu.memory_space<vmem_shared>>
        tpu.enqueue_dma source(%dma_start3A_67 : memref<8x128xf32, #tpu.memory_space<vmem_shared>>) target(%dma_start3A_64 : memref<8x128xf32, #tpu.memory_space<hbm>>) target_semaphore(%run_scoped3A_62 : memref<!tpu.dma_semaphore, #tpu.memory_space<semaphore_mem>>)
        %dma_wait3A_68 = arith.constant 0 : i32
        %dma_wait3A_69 = tpu.memref_slice %arg5[%add3A_61, %dma_wait3A_68] : memref<10240x128xf32, #tpu.memory_space<hbm>> -> memref<8x128xf32, #tpu.memory_space<hbm>>
        %dma_wait3A_70 = arith.constant 4992 : i32
        %dma_wait3A_71 = arith.constant 0 : i32
        %dma_wait3A_72 = tpu.memref_slice %arg13[%dma_wait3A_70, %dma_wait3A_71] : memref<5120x128xf32, #tpu.memory_space<vmem_shared>> -> memref<8x128xf32, #tpu.memory_space<vmem_shared>>
        tpu.wait_dma2 semaphore(%run_scoped3A_62 : memref<!tpu.dma_semaphore, #tpu.memory_space<semaphore_mem>>) src(%dma_wait3A_72 : memref<8x128xf32, #tpu.memory_space<vmem_shared>>) dst(%dma_wait3A_69 : memref<8x128xf32, #tpu.memory_space<hbm>>)
        tpu.yield
      }) : () -> ()
      "tpu.region"() ({
        %run_scoped3A_62 = tpu.sem_alloc : memref<!tpu.dma_semaphore, #tpu.memory_space<semaphore_mem>>
        %dma_start3A_63 = arith.constant 0 : i32
        %dma_start3A_64 = tpu.memref_slice %arg6[%arg0, %dma_start3A_63] : memref<2x5120xf32, #tpu.memory_space<hbm>> -> memref<1x5120xf32, #tpu.memory_space<hbm>>
        %dma_start3A_65 = tpu.memref_squeeze %dma_start3A_64 : memref<1x5120xf32, #tpu.memory_space<hbm>> -> memref<5120xf32, #tpu.memory_space<hbm>>
        tpu.enqueue_dma source(%arg14 : memref<5120xf32, #tpu.memory_space<vmem_shared>>) target(%dma_start3A_65 : memref<5120xf32, #tpu.memory_space<hbm>>) target_semaphore(%run_scoped3A_62 : memref<!tpu.dma_semaphore, #tpu.memory_space<semaphore_mem>>)
        %dma_wait3A_66 = arith.constant 0 : i32
        %dma_wait3A_67 = tpu.memref_slice %arg6[%arg0, %dma_wait3A_66] : memref<2x5120xf32, #tpu.memory_space<hbm>> -> memref<1x5120xf32, #tpu.memory_space<hbm>>
        %dma_wait3A_68 = tpu.memref_squeeze %dma_wait3A_67 : memref<1x5120xf32, #tpu.memory_space<hbm>> -> memref<5120xf32, #tpu.memory_space<hbm>>
        tpu.wait_dma2 semaphore(%run_scoped3A_62 : memref<!tpu.dma_semaphore, #tpu.memory_space<semaphore_mem>>) src(%arg14 : memref<5120xf32, #tpu.memory_space<vmem_shared>>) dst(%dma_wait3A_68 : memref<5120xf32, #tpu.memory_space<hbm>>)
        tpu.yield
      }) : () -> ()
    } else {
    }
    return
  }
}

module attributes {stable_mosaic.version = 14 : i64} {
  func.func @body(%arg0: i32, %arg1: memref<512x128xf32, #tpu.memory_space<vmem>>, %arg2: memref<512x128xf32, #tpu.memory_space<vmem>>, %arg3: memref<512x1xf32, #tpu.memory_space<vmem>>, %arg4: memref<128x128xf32, #tpu.memory_space<vmem>>, %arg5: memref<128x128xf32, #tpu.memory_space<vmem>>, %arg6: memref<1x128xf32, #tpu.memory_space<vmem>>, %arg7: memref<512x128xf32, #tpu.memory_space<vmem>>) attributes {dimension_semantics = [#tpu.dimension_semantics<arbitrary>], iteration_bounds = array<i64: 20>, scalar_prefetch = 0 : i64, scratch_operands = 0 : i64, tpu.core_type = #tpu.core_type<tc>, window_params = [{transform_indices = @transform_0, window_bounds = array<i64: 512, 128>}, {transform_indices = @transform_1, window_bounds = array<i64: 512, 128>}, {transform_indices = @transform_2, window_bounds = array<i64: 512, 1>}, {pipeline_mode = #tpu.pipeline_mode<synchronous>, transform_indices = @transform_3, window_bounds = array<i64: 128, 128>}, {pipeline_mode = #tpu.pipeline_mode<synchronous>, transform_indices = @transform_4, window_bounds = array<i64: 128, 128>}, {pipeline_mode = #tpu.pipeline_mode<synchronous>, transform_indices = @transform_5, window_bounds = array<i64: 1, 128>}, {transform_indices = @transform_6, window_bounds = array<i64: 512, 128>}]} {
    %get3A = arith.constant 0 : index
    %get3A_0 = arith.constant 0 : index
    %get3A_1 = vector.load %arg1[%get3A, %get3A_0] : memref<512x128xf32, #tpu.memory_space<vmem>>, vector<512x128xf32>
    %get3A_2 = arith.constant 0 : index
    %get3A_3 = arith.constant 0 : index
    %get3A_4 = vector.load %arg3[%get3A_2, %get3A_3] : memref<512x1xf32, #tpu.memory_space<vmem>>, vector<512x1xf32>
    %max3A = arith.constant 1.000000e+00 : f32
    %max3A_5 = vector.broadcast %max3A : f32 to vector<512x1xf32>
    %max3A_6 = arith.maximumf %get3A_4, %max3A_5 : vector<512x1xf32>
    %get3A_7 = arith.constant 0 : index
    %get3A_8 = arith.constant 0 : index
    %get3A_9 = vector.load %arg2[%get3A_7, %get3A_8] : memref<512x128xf32, #tpu.memory_space<vmem>>, vector<512x128xf32>
    %div3A = vector.broadcast %max3A_6 : vector<512x1xf32> to vector<512x128xf32>
    %div3A_10 = arith.divf %get3A_9, %div3A : vector<512x128xf32>
    %get3A_11 = arith.constant 0 : index
    %get3A_12 = arith.constant 0 : index
    %get3A_13 = vector.load %arg4[%get3A_11, %get3A_12] : memref<128x128xf32, #tpu.memory_space<vmem>>, vector<128x128xf32>
    %dot_general3A = arith.constant dense<0.000000e+00> : vector<512x128xf32>
    %dot_general3A_14 = tpu.matmul %get3A_1, %get3A_13, %dot_general3A {dimension_numbers = #tpu.dot_dimension_numbers<[1], [0], [0], [1], [0, 0, 1, 1], [], []>, transpose_lhs_hint = false} : vector<512x128xf32>, vector<128x128xf32>, vector<512x128xf32> -> vector<512x128xf32>
    %get3A_15 = arith.constant 0 : index
    %get3A_16 = arith.constant 0 : index
    %get3A_17 = vector.load %arg5[%get3A_15, %get3A_16] : memref<128x128xf32, #tpu.memory_space<vmem>>, vector<128x128xf32>
    %dot_general3A_18 = arith.constant dense<0.000000e+00> : vector<512x128xf32>
    %dot_general3A_19 = tpu.matmul %div3A_10, %get3A_17, %dot_general3A_18 {dimension_numbers = #tpu.dot_dimension_numbers<[1], [0], [0], [1], [0, 0, 1, 1], [], []>, transpose_lhs_hint = false} : vector<512x128xf32>, vector<128x128xf32>, vector<512x128xf32> -> vector<512x128xf32>
    %add3A = arith.addf %dot_general3A_14, %dot_general3A_19 : vector<512x128xf32>
    %get3A_20 = arith.constant 0 : index
    %get3A_21 = arith.constant 0 : index
    %get3A_22 = vector.load %arg6[%get3A_20, %get3A_21] : memref<1x128xf32, #tpu.memory_space<vmem>>, vector<1x128xf32>
    %add3A_23 = vector.broadcast %get3A_22 : vector<1x128xf32> to vector<512x128xf32>
    %add3A_24 = arith.addf %add3A, %add3A_23 : vector<512x128xf32>
    %max3A_25 = arith.constant 0.000000e+00 : f32
    %max3A_26 = vector.broadcast %max3A_25 : f32 to vector<512x128xf32>
    %max3A_27 = arith.maximumf %add3A_24, %max3A_26 : vector<512x128xf32>
    %add3A_28 = arith.addf %get3A_1, %max3A_27 : vector<512x128xf32>
    %swap3A = arith.constant 0 : index
    %swap3A_29 = arith.constant 0 : index
    %swap3A_30 = vector.load %arg7[%swap3A, %swap3A_29] : memref<512x128xf32, #tpu.memory_space<vmem>>, vector<512x128xf32>
    tpu.vector_store %arg7[%swap3A, %swap3A_29], %add3A_28 {strides = array<i32>} : memref<512x128xf32, #tpu.memory_space<vmem>>, vector<512x128xf32>,
    return
  }
  func.func @transform_0(%arg0: i32) -> (i32, i32) {
    %c0_i32 = arith.constant 0 : i32
    %c0_i32_0 = arith.constant 0 : i32
    return %arg0, %c0_i32 : i32, i32
  }
  func.func @transform_1(%arg0: i32) -> (i32, i32) {
    %c0_i32 = arith.constant 0 : i32
    %c0_i32_0 = arith.constant 0 : i32
    return %arg0, %c0_i32 : i32, i32
  }
  func.func @transform_2(%arg0: i32) -> (i32, i32) {
    %c0_i32 = arith.constant 0 : i32
    %c0_i32_0 = arith.constant 0 : i32
    return %arg0, %c0_i32 : i32, i32
  }
  func.func @transform_3(%arg0: i32) -> (i32, i32) {
    %c0_i32 = arith.constant 0 : i32
    %c0_i32_0 = arith.constant 0 : i32
    %c0_i32_1 = arith.constant 0 : i32
    return %c0_i32, %c0_i32_0 : i32, i32
  }
  func.func @transform_4(%arg0: i32) -> (i32, i32) {
    %c0_i32 = arith.constant 0 : i32
    %c0_i32_0 = arith.constant 0 : i32
    %c0_i32_1 = arith.constant 0 : i32
    return %c0_i32, %c0_i32_0 : i32, i32
  }
  func.func @transform_5(%arg0: i32) -> (i32, i32) {
    %c0_i32 = arith.constant 0 : i32
    %c0_i32_0 = arith.constant 0 : i32
    %c0_i32_1 = arith.constant 0 : i32
    return %c0_i32, %c0_i32_0 : i32, i32
  }
  func.func @transform_6(%arg0: i32) -> (i32, i32) {
    %c0_i32 = arith.constant 0 : i32
    %c0_i32_0 = arith.constant 0 : i32
    return %arg0, %c0_i32 : i32, i32
  }
}

</mosaic_0001>

<sc_bundles>
// kernel: kernel.4.cloned.1.call-start
scs
__scs_entry_jumppad:
0x0: {  	(pc) =	sbr.rel $0x88, $3  }
0x1: {  	(tag) =	ssettag $0x0;
	lr =	simm.s32 $0x1  }
0x2: {  	[smem:$0x3F9C] =	sst lr;
	_ =	strace $0xD0000000  }
0x3: {  	_ = 	snop  }
0x4: {  	_ = 	snop  }
0x5: {  	_ = 	snop  }
0x6: {  	_ = 	snop  }
0x7: {  	_ = 	snop  }
__scs_overlays_trampoline_lowered:
0x8: {  	[smem:$0x3FAB] =	sst s0  }
0x9: {  	[smem:$0x3FAC] =	sst s1  }
0xa: {  	[smem:$0x3FAD] =	sst s2  }
0xb: {  	[smem:$0x3FAE] =	sst s3  }
0xc: {  	[smem:$0x3FAF] =	sst s4  }
0xd: {  	[smem:$0x3FB0] =	sst s5  }
0xe: {  	[smem:$0x3FB1] =	sst s6  }
0xf: {  	[smem:$0x3FB2] =	sst s7  }
0x10: {  	[smem:$0x3FB3] =	sst s8  }
0x11: {  	[smem:$0x3FB4] =	sst s9;
	s0 =	simm.s32 @!p0 $0x0  }
0x12: {  	s1 =	sld [smem:$0x3F9A];
	s0 =	simm.s32 @p0 $0x1  }
0x13: {  	[smem:$0x3FB5] =	sst s0;
	s0 =	simm.s32 @!p1 $0x0  }
0x14: {  	s2 =	sld [smem:$0x3F99];
	s0 =	simm.s32 @p1 $0x1  }
0x15: {  	[smem:$0x3FB6] =	sst s0;
	s0 =	simm.s32 @!p2 $0x0  }
0x16: {  	s3 =	sld [smem:$0x3FDB];
	s0 =	simm.s32 @p2 $0x1  }
0x17: {  	s4 =	simm.s32 $0x1BF5;
	[smem:$0x3FB8] =	sst s0  }
0x18: {  	s0 =	sld [smem:$0x3F9B];
	_ =	swait.ge [sflag:s4], $0x0  }
0x19: {  	s7 =	sld [smem:$0x3F9C]  }
0x1a: {  	s8 =	sadd.s32 $0xFFFFE003, lr  }
0x1b: {  	s9 =	sadd.s32 $0xFFFFFEF7, lr;
	s5 =	simm.s32 $0xFFFFFFFF;
	p2 =	slt.u32 s8, $0xFFFFF086  }
0x1c: {  	p1 =	slt.u32 s9, $0xF7A;
	s5 =	simm.s32 @!p2 $0x0  }
0x1d: {  	s5 =	simm.s32 @p1 $0x1;
	p0 =	seq.s32 s7, s2  }
0x1e: {  	s7 =	smul.u32 @!p0 $0xF7A, s2;
	p2 =	seq.s32 @!p0 s5, $0x0  }
0x1f: {  	s9 =	smul.u32 $0xF7A, s1;
	s8 =	simm.s32 @!p0 $0x1BF5;
	p2 =	por !p2, p0  }
0x20: {  	[sflag:s8] =	ssyncset.s32 @!p0 $0xFFFFF086;
	s6 =	sadd.s32 @!p0 s3, s7;
	s7 =	simm.s32 @!p0 $0x108  }
0x21: {  	s3 =	sadd.s32 s3, s9;
	s6 =	sadd.s32 @!p0 $0x88, s6;
	s7 =	simm.s32 @p2 $0x1082  }
0x22: {  	[simem:s7], [sflag:s8] =	dma.local @!p0 [hbm:s6], $0xF7A  }
0x23: {  	s9 =	sor.u32 $0xD0000000, s2;
	s6 =	simm.s32 $0x108;
	_ =	swait.ge @!p0 [sflag:s8], $0x0  }
0x24: {  	s3 =	sadd.s32 $0x88, s3;
	s6 =	simm.s32 @!p1 $0x1082;
	[sflag:s4] =	ssyncset.s32 $0xFFFFF086  }
0x25: {  	[simem:s6], [sflag:s4] =	dma.local [hbm:s3], $0xF7A  }
0x26: {  	[smem:$0x3F9C] =	sst s1;
	(tag) =	ssettag s2;
	_ =	strace s9  }
0x27: {  	s1 =	sld [smem:$0x3FAC]  }
0x28: {  	s2 =	sld [smem:$0x3FAD]  }
0x29: {  	s4 =	sld [smem:$0x3FAF]  }
0x2a: {  	p0 =	seq.s32 s5, $0x0;
	s5 =	sld [smem:$0x3FB0]  }
0x2b: {  	s6 =	sld [smem:$0x3FB1]  }
0x2c: {  	s7 =	sld [smem:$0x3FB2]  }
0x2d: {  	s3 =	simm.s32 $0x108;
	s8 =	sld [smem:$0x3FB3]  }
0x2e: {  	s3 =	simm.s32 @!p0 $0x1082;
	s9 =	sld [smem:$0x3FB4]  }
0x2f: {  	lr =	sadd.s32 s0, s3;
	s0 =	sld [smem:$0x3FAB]  }
0x30: {  	s3 =	sld [smem:$0x3FAE]  }
0x31: {  	[smem:$0x3FB7] =	sst s10  }
0x32: {  	s10 =	sld [smem:$0x3FB5];
	_ =	sdelay $0x3  }
0x33: {  	p0 =	seq.s32 s10, $0x1;
	s10 =	sld [smem:$0x3FB7];
	_ =	sdelay $0x3  }
0x34: {  	[smem:$0x3FB7] =	sst s10  }
0x35: {  	s10 =	sld [smem:$0x3FB6];
	_ =	sdelay $0x3  }
0x36: {  	p1 =	seq.s32 s10, $0x1;
	s10 =	sld [smem:$0x3FB7];
	_ =	sdelay $0x3  }
0x37: {  	[smem:$0x3FB7] =	sst s10  }
0x38: {  	s10 =	sld [smem:$0x3FB8]  }
0x39: {  	_ = 	snop;
	(pc) =	sbr.ind lr, $3  }
0x3a: {  	_ = 	snop  }
0x3b: {  	_ = 	snop  }
0x3c: {  	p2 =	seq.s32 s10, $0x1;
	s10 =	sld [smem:$0x3FB7]  }
0x3d: {  	_ =	shalt  }
0x3e: {  	_ =	shalt  }
0x3f: {  	_ =	shalt  }
0x40: {  	_ =	shalt  }
0x41: {  	_ =	shalt  }
0x42: {  	_ =	shalt  }
0x43: {  	_ =	shalt  }
0x44: {  	_ =	shalt  }
0x45: {  	_ =	shalt  }
0x46: {  	_ =	shalt  }
0x47: {  	_ =	shalt  }
0x48: {  	_ =	shalt  }
0x49: {  	_ =	shalt  }
0x4a: {  	_ =	shalt  }
0x4b: {  	_ =	shalt  }
0x4c: {  	_ =	shalt  }
0x4d: {  	_ =	shalt  }
0x4e: {  	_ =	shalt  }
0x4f: {  	_ =	shalt  }
0x50: {  	_ =	shalt  }
0x51: {  	_ =	shalt  }
0x52: {  	_ =	shalt  }
0x53: {  	_ =	shalt  }
0x54: {  	_ =	shalt  }
0x55: {  	_ =	shalt  }
0x56: {  	_ =	shalt  }
0x57: {  	_ =	shalt  }
0x58: {  	_ =	shalt  }
0x59: {  	_ =	shalt  }
0x5a: {  	_ =	shalt  }
0x5b: {  	_ =	shalt  }
0x5c: {  	_ =	shalt  }
0x5d: {  	_ =	shalt  }
0x5e: {  	_ =	shalt  }
0x5f: {  	_ =	shalt  }
0x60: {  	_ =	shalt  }
0x61: {  	_ =	shalt  }
0x62: {  	_ =	shalt  }
0x63: {  	_ =	shalt  }
0x64: {  	_ =	shalt  }
0x65: {  	_ =	shalt  }
0x66: {  	_ =	shalt  }
0x67: {  	_ =	shalt  }
0x68: {  	_ =	shalt  }
0x69: {  	_ =	shalt  }
0x6a: {  	_ =	shalt  }
0x6b: {  	_ =	shalt  }
0x6c: {  	_ =	shalt  }
0x6d: {  	_ =	shalt  }
0x6e: {  	_ =	shalt  }
0x6f: {  	_ =	shalt  }
0x70: {  	_ =	shalt  }
0x71: {  	_ =	shalt  }
0x72: {  	_ =	shalt  }
0x73: {  	_ =	shalt  }
0x74: {  	_ =	shalt  }
0x75: {  	_ =	shalt  }
0x76: {  	_ =	shalt  }
0x77: {  	_ =	shalt  }
0x78: {  	_ =	shalt  }
0x79: {  	_ =	shalt  }
0x7a: {  	_ =	shalt  }
0x7b: {  	_ =	shalt  }
0x7c: {  	_ =	shalt  }
0x7d: {  	_ =	shalt  }
0x7e: {  	_ =	shalt  }
0x7f: {  	_ =	shalt  }
0x80: {  	_ =	shalt  }
0x81: {  	_ =	shalt  }
0x82: {  	_ =	shalt  }
0x83: {  	_ =	shalt  }
0x84: {  	_ =	shalt  }
0x85: {  	_ =	shalt  }
0x86: {  	_ =	shalt  }
0x87: {  	_ =	shalt  }
.Lfunc_end0:
.L_simem_size_0:
called_computation_lowered:
.L_overlay_start_0:
0x88: {  	s2 =	sld [smem:$0x3FD9]  }
0x89: {  	s3 =	sld [smem:$0x3FFE];
	_ =	sdelay $0x1  }
0x8a: {  	s1 =	srdreg.scid  }
0x8b: {  	s0 =	sand.u32 $0x1, s1  }
0x8c: {  	s17 =	sshll.u32 s0, $0xA;
	s2 =	sadd.s32 s3, s2  }
0x8d: {  	s2 =	sadd.s32 s2, s17  }
0x8e: {  	[smem:$0x3FC3] =	sst s2  }
0x8f: {  	_ = 	snop  }
0x90: {  	s2 =	sld [smem:$0x3FC9]  }
0x91: {  	s18 =	sld [smem:$0x3FD0];
	(tm) =	ssettm $0x1  }
0x92: {  	s4 =	sld [smem:$0x3FFB];
	_ =	sdelay $0x3  }
0x93: {  	_ =	strace s4  }
0x94: {  	s4 =	sld [smem:$0x3FFC];
	_ =	sdelay $0x3  }
0x95: {  	_ =	strace s4  }
0x96: {  	s4 =	sld [smem:$0x3FFD];
	_ =	sdelay $0x3  }
0x97: {  	_ =	strace s4  }
0x98: {  	_ =	strace $0x8FFFFFFF  }
0x99: {  	s19 =	sld [smem:$0x3FDB];
	_ =	sdelay $0x1  }
0x9a: {  	s5 =	simm.s32 $_scs_section_size  }
0x9b: {  	s6 =	simm.s32 $_size__tile_overlayer_lowered;
	s7 =	simm.s32 $_tile_overlayer_lowered  }
0x9c: {  	s22 =	simm.s32 $0x1BFF;
	s21 =	sshll.u32 s7, $0x1;
	s4 =	sadd.s32 s5, s19  }
0x9d: {  	s8 =	simm.s32 $0x0;
	s20 =	sshll.u32 s6, $0x1;
	s6 =	sadd.s32 s21, s4  }
0x9e: {  	[timem:s8], [sflag:s22] =	dma.local [hbm:s6], s20  }
0x9f: {  	_ =	swait.ge [sflag:s22], s20  }
0xa0: {  	s5 =	ssub.s32 $0x0, s20;
	[sflag:s22] =	ssyncset.done $0x0  }
0xa1: {  	[sflag:s22] =	ssyncadd.s32 s5;
	_ =	sdelay $0x1  }
0xa2: {  	s23 =	simm.s32 $0x1B8B  }
0xa3: {  	_ =	swait.ge [sflag:s23], $0x1  }
0xa4: {  	[sflag:s23] =	ssyncset.done $0x0  }
0xa5: {  	s25 =	simm.s32 $0x1B8E;
	s24 =	sld [smem:$0x3FFE];
	[sflag:s23] =	ssyncadd.s32 $0xFFFFFFFF  }
0xa6: {  	s26 =	simm.s32 $execute0_lowered;
	[smem:$0x3FD2] =	sst s25  }
0xa7: {  	s6 =	sshll.u32 s26, $0x1;
	_ =	strace $0x80000046;
	[dreg:$0x1] =	wrdreg $0xFFFFFFFF  }
0xa8: {  	s28 =	simm.s32 $_size_execute0_lowered;
	s4 =	sadd.s32 s4, s6;
	[dreg:$0x0] =	wrdreg $0x0  }
0xa9: {  	s6 =	sshll.u32 s28, $0x1;
	[dreg:$0x2] =	wrdreg s4  }
0xaa: {  	[dreg:$0x3] =	wrdreg s6  }
0xab: {  	[dreg:$0x4] =	wrdreg $0xC0  }
0xac: {  	_ =	task [dreg:s8], $0x5FFFF  }
0xad: {  	[dreg:$0x1] =	wrdreg $0xFFFFFFFF  }
0xae: {  	[dreg:$0x0] =	wrdreg $0x60  }
0xaf: {  	[dreg:$0x2] =	wrdreg s2  }
0xb0: {  	[dreg:$0x3] =	wrdreg s18  }
0xb1: {  	[dreg:$0x4] =	wrdreg s24  }
0xb2: {  	[dreg:$0x5] =	wrdreg $0x135800  }
0xb3: {  	[dreg:$0x6] =	wrdreg $0x1D5800  }
0xb4: {  	[dreg:$0x7] =	wrdreg $0x9  }
0xb5: {  	_ =	task.clear_ibuf [dreg:s8], $0x8FFFF;
	_ =	strace $0x90000046  }
0xb6: {  	s29 =	simm.s32 $0x9;
	_ =	strace $0x80000048  }
0xb7: {  	_ =	swait.ge [sflag:s29], $0x1  }
0xb8: {  	[sflag:s29] =	ssyncadd.s32 $0xFFFFFFFF  }
0xb9: {  	_ =	strace $0x90000048  }
0xba: {  	_ =	sfence  }
0xbb: {  	s30 =	sld [smem:$0x0];
	_ =	sdelay $0x2  }
0xbc: {  	s31 =	sshll.u32 s1, $0xD;
	s1 =	sshrl.u32 s1, $0x2  }
0xbd: {  	s3 =	sand.u32 $0x4000, s31;
	s1 =	sadd.s32 s1, s30  }
0xbe: {  	s0 =	sor.u32 s3, s0;
	s1 =	sshll.u32 s1, $0x11  }
0xbf: {  	s0 =	sor.u32 s1, s0  }
0xc0: {  	s0 =	sadd.s32 $0x8F2B, s0  }
0xc1: {  	[sflag:s0] =	ssyncadd.remote.s32 $0x1  }
0xc2: {  	_ =	sfence.sel $0xFFFF  }
0xc3: {  	[dreg:$0x0] =	wrdreg $0xFFFFFFFF;
	(pc) =	sbr.abs _section_cstart, $3  }
0xc4: {  	[dreg:$0x1] =	wrdreg $0xFFFFFFFF  }
0xc5: {  	_ =	task.clear_ibuf [dreg:s8], $0x2FFFF;
	_ =	strace $0x9FFFFFFF  }
0xc6: {  	(tm) =	ssettm $0x7FFFFFFF  }
0xc7: {  	_ =	shalt  }
tec
execute0_lowered:
.L_overlay_start_1:
0x0: {  	(tag) =	ssettag $0x1  }
0x1: {  	s0 =	rddreg [dreg:$0x1]  }
0x2: {  	s1 =	rddreg [dreg:$0x2]  }
0x3: {  	s12 =	rddreg [dreg:$0x3];
	s15 =	stileid.u32  }
0x4: {  	s13 =	rddreg [dreg:$0x4];
	s2 =	smul.u32 $0xA00, s15  }
0x5: {  	s14 =	simm.s32 $0x0;
	s3 =	srdreg.scid;
	s5 =	smul.u32 $0x28000, s15  }
0x6: {  	[smem:$0x7FF] =	sst s14;
	s8 =	smul.u32 $0x1400, s15  }
0x7: {  	s3 =	sand.u32 $0x1, s3;
	s6 =	sadd.s32 $0xB800, s1;
	s11 =	smul.u32 $0x27000, s15  }
0x8: {  	s26 =	smul.u32 $0x138, s15;
	p1 =	sne.s32 s15, $0x0;
	_ =	strace $0x80000047  }
0x9: {  	s7 =	sshll.u32 s3, $0x4;
	s24 =	ssub.s32 $0x2, s3;
	s9 =	smul.u32 $0x1388, s3  }
0xa: {  	s3 =	smul.u32 $0x9C400, s3;
	s4 =	sadd.s32 s2, s1;
	s1 =	sadd.s32 s7, s1  }
0xb: {  	s10 =	sshrl.u32 s24, $0x1;
	s5 =	sshrl.u32 s5, $0x2;
	s0 =	sadd.s32 s0, s2  }
0xc: {  	s8 =	sshrl.u32 s8, $0x2;
	s25 =	sadd.s32 s5, s12;
	[dreg:$0xa] =	wrdreg s0  }
0xd: {  	s29 =	sshrl.u32 s11, $0x2;
	s8 =	sadd.s32 s8, s13;
	[dreg:$0x7] =	wrdreg s25  }
0xe: {  	s7 =	ssub.s32 s24, s10;
	s28 =	sadd.s32 $0x1200, s4;
	[dreg:$0x9] =	wrdreg s8  }
0xf: {  	s30 =	sadd.s32 s26, s9;
	s1 =	sadd.s32 $0xB200, s1;
	[dreg:$0xb] =	wrdreg s28  }
0x10: {  	s3 =	sshrl.u32 s3, $0x3;
	s10 =	sadd.s32 $0x5000, s25;
	[dreg:$0xe] =	wrdreg s1  }
0x11: {  	s0 =	sadd.s32 s29, s12;
	s31 =	smax.u32 s7, $0x1;
	[dreg:$0x8] =	wrdreg s10  }
0x12: {  	s2 =	sshll.u32 s30, $0x4;
	s0 =	sshrl.u32 s0, $0x3;
	[dreg:$0xf] =	wrdreg s31  }
0x13: {  	s3 =	sadd.s32 s6, s3;
	s2 =	sadd.s32 s6, s2;
	[dreg:$0x10] =	wrdreg s0  }
0x14: {  	s3 =	sadd.s32 $0x13800, s3;
	[dreg:$0xc] =	wrdreg s2;
	s2 =	sadd.s32 $0x9C000, s12  }
0x15: {  	s16 =	simm.s32 $0x3;
	v1 =	vimm.f32 $0.0e+00;
	[dreg:$0xd] =	wrdreg s3;
	s0 =	sshrl.u32 @!p1 s2, $0x3  }
0x16: {  	v2 =	vimm.f32 $1.000000000e+00;
	v3 =	vlaneseq.u32;
	p0 =	sgt.u32 s15, $0x3;
	v0 =	vmov s9;
	s8 =	simm.s32 $0xE080;
	[dreg:$0x11] =	wrdreg s0  }
.LBB2_1:
0x17: {  	s0 =	simm.s32 $0x0;
	s1 =	simm.s32 $0x200  }
.LBB2_2:
0x18: {  	p2 =	sne.s32 s1, $0x13E00;
	[tilespmem:s0+$0xE0F0] =	vst v1  }
0x19: {  	[tilespmem:s0+$0xE080] =	vst v1  }
0x1a: {  	[tilespmem:s0+$0xE090] =	vst v1  }
.Ltmp0:
0x1b: {  	[tilespmem:s0+$0xE0A0] =	vst v1;
	(pc) =	sbr.rel @p2 .LBB2_2-.Ltmp0, $4  }
0x1c: {  	[tilespmem:s0+$0xE0B0] =	vst v1  }
0x1d: {  	[tilespmem:s0+$0xE0C0] =	vst v1  }
0x1e: {  	[tilespmem:s0+$0xE0D0] =	vst v1  }
0x1f: {  	[tilespmem:s0+$0xE0E0] =	vst v1;
	s0 =	sshra.s32 s1, $0x2;
	s1 =	sadd.s32 $0x200, s1  }
0x20: {  	[tilespmem:s0+$0xE0F0] =	vst v1  }
0x21: {  	[tilespmem:s0+$0xE080] =	vst v1  }
0x22: {  	[tilespmem:s0+$0xE090] =	vst v1  }
0x23: {  	[tilespmem:s0+$0xE0A0] =	vst v1  }
0x24: {  	[tilespmem:s0+$0xE0B0] =	vst v1  }
0x25: {  	[tilespmem:s0+$0xE0C0] =	vst v1  }
0x26: {  	[tilespmem:s0+$0xE0D0] =	vst v1  }
0x27: {  	[dreg:$0x6] =	wrdreg s14;
	[tilespmem:s0+$0xE0E0] =	vst v1;
	s0 =	simm.s32 $0x40;
	s1 =	simm.s32 $0x0  }
.LBB2_4:
0x28: {  	p2 =	sne.s32 s0, $0x13C0;
	[tilespmem:s1+$0x13080] =	vst v1;
	s1 =	smov.u32 s0;
	s0 =	sadd.s32 $0x40, s0  }
.Ltmp1:
0x29: {  	(pc) =	sbr.rel @p2 .LBB2_4-.Ltmp1, $2  }
0x2a: {  	_ =	sdelay $0x2  }
0x2b: {  	s1 =	sshra.s32 s1, $0x2  }
0x2c: {  	[tilespmem:s1+$0x13080] =	vst v1  }
0x2d: {  	[tilespmem:$0xE000] =	vst v2  }
0x2e: {  	[tilespmem:$0xE010] =	vst v2  }
0x2f: {  	[tilespmem:$0xE020] =	vst v2  }
0x30: {  	[tilespmem:$0xE030] =	vst v2  }
0x31: {  	[tilespmem:$0xE040] =	vst v2  }
0x32: {  	s0 =	rddreg [dreg:$0x7];
	s10 =	simm.s32 $0x0;
	s2 =	simm.s32 $0x5000;
	[tilespmem:$0xE050] =	vst v2  }
0x33: {  	s15 =	simm.s32 $0x0;
	s26 =	simm.s32 $0x5040;
	s20 =	simm.s32 $0x1;
	[tilespmem:$0xE060] =	vst v2  }
0x34: {  	[tilespmem:$0xE070] =	vst v2;
	s13 =	sand.u32 $0xFFF8, s15;
	s4 =	sor.u32 $0x1, s15;
	s5 =	sor.u32 $0x2, s15  }
0x35: {  	[spmem:s0] =	stream.linear.scatter [tilespmem:s8], [sflag:$0x3], $0x5000, $0x38;
	[tilespmem:$0x1D6C0] =	vst v63  }
0x36: {  	s6 =	sor.u32 $0x4, s15;
	s0 =	simm.s32 @!p0 $0x13080;
	s14 =	smul.u32 $0x2493, s13  }
0x37: {  	s3 =	sand.u32 $0xFFF9, s4;
	s7 =	sand.u32 $0xFFFA, s5;
	_ =	swait.ge [sflag:s16], $0x5000  }
0x38: {  	s18 =	sand.u32 $0xFFFC, s6;
	s3 =	smul.u32 $0x2493, s3;
	[sflag:s16] =	ssyncset.done $0x0  }
0x39: {  	s7 =	smul.u32 $0x2493, s7;
	s9 =	rddreg [dreg:$0x8];
	[sflag:s16] =	ssyncadd.s32 $0xFFFFB000  }
0x3a: {  	[spmem:s9] =	stream.linear.scatter [tilespmem:s8], [sflag:$0x3], $0x5000, $0x38;
	[tilespmem:$0x1D6C0] =	vst v63  }
0x3b: {  	s3 =	sshrl.u32 s3, $0x10;
	s7 =	sshrl.u32 s7, $0x10;
	s9 =	sor.u32 $0x5, s15  }
0x3c: {  	s8 =	smul.u32 $0x2493, s18;
	s23 =	ssub.s32 s4, s3;
	s24 =	ssub.s32 s5, s7  }
0x3d: {  	_ =	swait.ge [sflag:s16], $0x5000;
	s23 =	sand.u32 $0xFFFE, s23;
	s24 =	sand.u32 $0xFFFE, s24  }
0x3e: {  	[sflag:s16] =	ssyncset.done $0x0;
	s1 =	rddreg [dreg:$0x9];
	s8 =	sshrl.u32 s8, $0x10  }
0x3f: {  	s23 =	sshrl.u32 s23, $0x1;
	s24 =	sshrl.u32 s24, $0x1;
	[sflag:s16] =	ssyncadd.s32 $0xFFFFB000  }
0x40: {  	s25 =	ssub.s32 s6, s8;
	s3 =	sadd.s32 s3, s23;
	s7 =	sadd.s32 s7, s24  }
0x41: {  	[spmem:s1] =	stream.linear.scatter @!p0 [tilespmem:s0], [sflag:$0x3], $0x500, $0x38;
	[tilespmem:$0x1D6C0] =	vst v63  }
0x42: {  	s0 =	simm.s32 @!p0 $0x3;
	s1 =	sshrl.u32 s14, $0x10;
	s25 =	sand.u32 $0xFFFE, s25  }
0x43: {  	s3 =	sshrl.u32 s3, $0x2;
	s7 =	sshrl.u32 s7, $0x2;
	_ =	swait.ge @!p0 [sflag:s0], $0x500  }
0x44: {  	s14 =	ssub.s32 $0x0, s1;
	s25 =	sshrl.u32 s25, $0x1;
	s3 =	smul.u32 $0x7, s3  }
0x45: {  	s7 =	smul.u32 $0x7, s7;
	[sflag:s0] =	ssyncset.done @!p0 $0x0;
	s14 =	sand.u32 $0xFFFE, s14  }
0x46: {  	s8 =	sadd.s32 s8, s25;
	[sflag:s0] =	ssyncadd.s32 @!p0 $0xFFFFFB00;
	s14 =	sshrl.u32 s14, $0x1  }
0x47: {  	s8 =	sshrl.u32 s8, $0x2;
	s3 =	ssub.s32 s4, s3;
	s21 =	ssub.s32 s5, s7  }
0x48: {  	[bflag:$0x0] =	sbarrier.arrive $0xFFFF;
	s1 =	sadd.s32 s1, s14;
	s8 =	smul.u32 $0x7, s8  }
0x49: {  	s3 =	sshll.u32 s3, $0x4;
	s25 =	sshll.u32 s21, $0x4;
	s11 =	rddreg [dreg:$0xa]  }
0x4a: {  	s1 =	sshrl.u32 s1, $0x2;
	s3 =	sor.u32 $0x1388, s3;
	s4 =	sor.u32 $0x1388, s25  }
0x4b: {  	[tilespmem:s10], [sflag:$0x3] =	stream.linear.gather [hbm4b:s11+s10], $0x4E80, $0x38;
	[tilespmem:$0x1D6C0] =	vst v63  }
0x4c: {  	s11 =	sor.u32 $0x6, s15;
	s1 =	smul.u32 $0x7, s1;
	_ =	swait.ge [sflag:s16], $0x4E80  }
0x4d: {  	s22 =	ssub.s32 s6, s8;
	s13 =	sand.u32 $0xFFFE, s11;
	[sflag:s16] =	ssyncset.done $0x0  }
0x4e: {  	s5 =	sshll.u32 s22, $0x4;
	s12 =	rddreg [dreg:$0xb];
	[sflag:s16] =	ssyncadd.s32 $0xFFFFB180  }
0x4f: {  	[tilespmem:s2], [sflag:$0x3] =	stream.linear.gather [hbm4b:s12+s10], $0x4E80, $0x38;
	[tilespmem:$0x1D6C0] =	vst v63  }
0x50: {  	s13 =	smul.u32 $0x2493, s13;
	s12 =	sshllo.u32 s10, $0x3;
	s10 =	sand.u32 $0xFFFD, s9  }
0x51: {  	s1 =	ssub.s32 $0x0, s1;
	s5 =	sor.u32 $0x1388, s5;
	s10 =	smul.u32 $0x2493, s10  }
0x52: {  	s1 =	sshll.u32 s1, $0x4;
	s13 =	sshrl.u32 s13, $0x10;
	s17 =	sand.u32 $0xFFFF, s12  }
0x53: {  	s1 =	sor.u32 $0x1388, s1;
	s2 =	smul.u32 $0x2493, s17;
	s10 =	sshrl.u32 s10, $0x10  }
0x54: {  	_ =	swait.ge [sflag:s16], $0x4E80;
	s29 =	ssub.s32 s11, s13;
	s28 =	ssub.s32 s9, s10  }
0x55: {  	s18 =	sand.u32 $0xFFF8, s1;
	s2 =	sshrl.u32 s2, $0x10;
	s19 =	sand.u32 $0xFFFE, s28  }
0x56: {  	s17 =	ssub.s32 s12, s2;
	s28 =	sand.u32 $0xFFFE, s29;
	s14 =	sshrl.u32 s19, $0x1  }
0x57: {  	s17 =	sand.u32 $0xFFFE, s17;
	s28 =	sshrl.u32 s28, $0x1;
	s10 =	sadd.s32 s10, s14  }
0x58: {  	s17 =	sshrl.u32 s17, $0x1;
	s13 =	sadd.s32 s13, s28;
	s10 =	sshrl.u32 s10, $0x2  }
0x59: {  	s13 =	sshrl.u32 s13, $0x2;
	s2 =	sadd.s32 s2, s17;
	s10 =	smul.u32 $0x7, s10  }
0x5a: {  	[sflag:s16] =	ssyncset.done $0x0;
	s13 =	smul.u32 $0x7, s13;
	s8 =	sshrl.u32 s2, $0x2  }
0x5b: {  	[sflag:s16] =	ssyncadd.s32 $0xFFFFB180;
	s19 =	sand.u32 $0xFFF8, s3;
	s1 =	smul.u32 $0x7, s8  }
0x5c: {  	s8 =	sshllo.u32 s20, $0x3;
	s23 =	ssub.s32 s9, s10;
	s24 =	ssub.s32 s11, s13  }
0x5d: {  	s9 =	sand.u32 $0xFFF8, s4;
	s10 =	simm.s32 $0x8;
	s20 =	sand.u32 $0xFFFF, s8  }
0x5e: {  	s11 =	sand.u32 $0xFFF8, s5;
	s0 =	sshll.u32 s23, $0x4;
	s7 =	sshll.u32 s24, $0x4  }
0x5f: {  	s13 =	sand.u32 $0xFFF8, s10;
	s14 =	sor.u32 $0x1, s10;
	s6 =	sor.u32 $0x2, s10  }
0x60: {  	s3 =	smul.u32 $0x2493, s20;
	s4 =	ssub.s32 s12, s1;
	s23 =	sor.u32 $0x5, s10  }
0x61: {  	s1 =	sor.u32 $0x3, s15;
	s17 =	sor.u32 $0x1388, s0;
	s2 =	smul.u32 $0x2493, s13  }
0x62: {  	s21 =	sand.u32 $0xFFF9, s14;
	s24 =	sand.u32 $0xFFFA, s6;
	s13 =	sor.u32 $0x4, s10  }
0x63: {  	s29 =	sand.u32 $0xFFFD, s23;
	s7 =	sor.u32 $0x1388, s7;
	s22 =	smul.u32 $0x2493, s21  }
0x64: {  	s4 =	sshll.u32 s4, $0x4;
	s28 =	smul.u32 $0x2493, s24;
	s0 =	sand.u32 $0xFFFC, s13  }
0x65: {  	s24 =	sor.u32 $0x6, s10;
	s29 =	smul.u32 $0x2493, s29;
	s3 =	sshrl.u32 s3, $0x10  }
0x66: {  	s17 =	sand.u32 $0xFFF8, s17;
	s7 =	sand.u32 $0xFFF8, s7;
	s4 =	sor.u32 $0x1388, s4  }
0x67: {  	s5 =	smul.u32 $0x2493, s0;
	s2 =	sshrl.u32 s2, $0x10;
	s30 =	sand.u32 $0xFFFE, s24  }
0x68: {  	s4 =	sand.u32 $0xFFF8, s4;
	s31 =	ssub.s32 $0x8, s2;
	s30 =	smul.u32 $0x2493, s30  }
0x69: {  	s25 =	sshrl.u32 s22, $0x10;
	s28 =	sshrl.u32 s28, $0x10;
	s29 =	sshrl.u32 s29, $0x10  }
0x6a: {  	s12 =	sshrl.u32 s5, $0x10;
	s31 =	sand.u32 $0xFFFE, s31;
	s20 =	ssub.s32 s14, s25  }
0x6b: {  	s5 =	ssub.s32 s8, s3;
	s31 =	sshrl.u32 s31, $0x1;
	s0 =	sand.u32 $0xFFFE, s20  }
0x6c: {  	s21 =	ssub.s32 s13, s12;
	s30 =	sshrl.u32 s30, $0x10;
	s2 =	sadd.s32 s2, s31  }
0x6d: {  	s31 =	ssub.s32 s6, s28;
	s0 =	sshrl.u32 s0, $0x1;
	s22 =	ssub.s32 s24, s30  }
0x6e: {  	s25 =	sadd.s32 s25, s0;
	s31 =	sand.u32 $0xFFFE, s31;
	s0 =	sand.u32 $0xFFFE, s21  }
0x6f: {  	s2 =	sshrl.u32 s2, $0x2;
	s31 =	sshrl.u32 s31, $0x1;
	s0 =	sshrl.u32 s0, $0x1  }
0x70: {  	s2 =	smul.u32 $0x7, s2;
	s25 =	sshrl.u32 s25, $0x2;
	s28 =	sadd.s32 s28, s31  }
0x71: {  	s31 =	ssub.s32 s23, s29;
	s12 =	sadd.s32 s12, s0;
	s0 =	sand.u32 $0xFFFE, s22  }
0x72: {  	s25 =	smul.u32 $0x7, s25;
	s31 =	sand.u32 $0xFFFE, s31;
	s0 =	sshrl.u32 s0, $0x1  }
0x73: {  	s28 =	sshrl.u32 s28, $0x2;
	s12 =	sshrl.u32 s12, $0x2;
	s31 =	sshrl.u32 s31, $0x1  }
0x74: {  	s30 =	sadd.s32 s30, s0;
	s0 =	sand.u32 $0xFFFE, s5;
	s20 =	smul.u32 $0x7, s28  }
0x75: {  	s12 =	smul.u32 $0x7, s12;
	s14 =	ssub.s32 s14, s25;
	s28 =	simm.s32 $0x50C0  }
0x76: {  	s29 =	sadd.s32 s29, s31;
	s31 =	sand.u32 $0xFFFB, s1;
	s0 =	sshrl.u32 s0, $0x1  }
0x77: {  	s21 =	sshrl.u32 s30, $0x2;
	s30 =	ssub.s32 $0x8, s2;
	s2 =	simm.s32 $0x2  }
0x78: {  	s14 =	sshll.u32 s14, $0x4;
	s31 =	smul.u32 $0x2493, s31;
	s5 =	sadd.s32 s3, s0  }
0x79: {  	s29 =	sshrl.u32 s29, $0x2;
	s25 =	smul.u32 $0x7, s21;
	s0 =	ssub.s32 s6, s20  }
0x7a: {  	s22 =	sshll.u32 s30, $0x4;
	s12 =	ssub.s32 s13, s12;
	s14 =	sor.u32 $0x1388, s14  }
0x7b: {  	v4 =	vld [tilespmem:s26+$0xFFFFFFC0];
	v14 =	vadd.s32 s17, v3;
	s30 =	sor.u32 $0x3, s10;
	s17 =	sshllo.u32 s2, $0x3;
	s29 =	smul.u32 $0x7, s29  }
0x7c: {  	v5 =	vld [tilespmem:s26+$0xFFFFFFD0];
	s6 =	sor.u32 $0x1388, s22;
	s0 =	sshll.u32 s0, $0x4;
	s12 =	sshll.u32 s12, $0x4  }
0x7d: {  	v6 =	vld [tilespmem:s26+$0xFFFFFFE0];
	s5 =	sshrl.u32 s5, $0x2;
	s21 =	sand.u32 $0xFFFB, s30;
	s2 =	sand.u32 $0xFFFF, s17  }
0x7e: {  	s31 =	sshrl.u32 s31, $0x10;
	s24 =	ssub.s32 s24, s25;
	s13 =	sand.u32 $0xFFF8, s6  }
0x7f: {  	v7 =	vld [tilespmem:s26+$0x0];
	s0 =	sor.u32 $0x1388, s0;
	s12 =	sor.u32 $0x1388, s12;
	s5 =	smul.u32 $0x7, s5  }
0x80: {  	v8 =	vadd.s32 s18, v3;
	v11 =	vld [tilespmem:s26+$0x10];
	v12 =	vsub.s32 v4, v0;
	s22 =	smul.u32 $0x2493, s21;
	s15 =	ssub.s32 s1, s31;
	s23 =	ssub.s32 s23, s29  }
0x81: {  	v9 =	vadd.s32 s19, v3;
	v5 =	vsub.s32 v5, v0;
	vm0 =	vlt.u32 v12, $0x1388;
	s29 =	sshll.u32 s24, $0x4;
	s24 =	sand.u32 $0xFFF8, s14;
	s14 =	sand.u32 $0xFFF8, s12  }
0x82: {  	v15 =	vld [tilespmem:s26+$0x20];
	v6 =	vsub.s32 v6, v0;
	v8 =	vsel vm0, v12, v8;
	vm0 =	vlt.u32 v5, $0x1388;
	s3 =	sand.u32 $0xFFFE, s15;
	s15 =	sshll.u32 s23, $0x4;
	s23 =	sand.u32 $0xFFF8, s0  }
0x83: {  	v17 =	vld [tilespmem:s26+$0x30];
	v10 =	vadd.s32 s9, v3;
	v5 =	vsel vm0, v5, v9;
	vm0 =	vlt.u32 v6, $0x1388;
	s6 =	sor.u32 $0x1388, s29;
	s5 =	ssub.s32 s8, s5;
	s29 =	simm.s32 $0x5140  }
0x84: {  	v7 =	vsub.s32 v7, v0;
	v13 =	vadd.s32 s11, v3;
	[tilespmem:s26+$0xFFFFFFD0] =	vst v5;
	v5 =	vsel vm0, v6, v10;
	s3 =	sshrl.u32 s3, $0x1;
	s20 =	sor.u32 $0x1388, s15;
	s9 =	sand.u32 $0xFFF8, s6  }
0x85: {  	vm0 =	vlt.u32 v7, $0x1388;
	v6 =	vsub.s32 v11, v0;
	v16 =	vadd.s32 s7, v3;
	s7 =	sshll.u32 s5, $0x4;
	s6 =	smul.u32 $0x2493, s2;
	s3 =	sadd.s32 s31, s3  }
0x86: {  	[tilespmem:s26+$0xFFFFFFE0] =	vst v5;
	v5 =	vsel vm0, v7, v13;
	vm0 =	vlt.u32 v6, $0x1388;
	s25 =	sand.u32 $0xFFF8, s20;
	s31 =	sshrl.u32 s22, $0x10;
	s0 =	sor.u32 $0x1388, s7  }
0x87: {  	v7 =	vsub.s32 v15, v0;
	[tilespmem:s26+$0x0] =	vst v5;
	v5 =	vsel vm0, v6, v14;
	s7 =	simm.s32 $0x10;
	s3 =	sshrl.u32 s3, $0x2;
	s8 =	ssub.s32 s30, s31  }
0x88: {  	[tilespmem:s26+$0xFFFFFFC0] =	vst v8;
	vm0 =	vlt.u32 v7, $0x1388;
	v6 =	vsub.s32 v17, v0;
	v55 =	vadd.s32 s13, v3;
	s15 =	sand.u32 $0xFFF8, s0;
	s12 =	sand.u32 $0xFFF8, s7;
	s13 =	sor.u32 $0x6, s7  }
0x89: {  	[tilespmem:s26+$0x10] =	vst v5;
	v5 =	vsel vm0, v7, v16;
	vm0 =	vlt.u32 v6, $0x1388;
	v7 =	vadd.s32 s4, v3;
	v8 =	vld [tilespmem:s28+$0xFFFFFFC0];
	s3 =	smul.u32 $0x7, s3;
	s10 =	sand.u32 $0xFFFE, s8;
	s8 =	sor.u32 $0x1, s7  }
0x8a: {  	[tilespmem:s26+$0x20] =	vst v5;
	v5 =	vsel vm0, v6, v7;
	v6 =	vld [tilespmem:s28+$0xFFFFFFD0];
	s4 =	smul.u32 $0x2493, s12;
	s12 =	sor.u32 $0x5, s7;
	s18 =	sand.u32 $0xFFF9, s8  }
0x8b: {  	[tilespmem:s26+$0x30] =	vst v5;
	v5 =	vld [tilespmem:s28+$0xFFFFFFE0];
	v56 =	vadd.s32 s24, v3;
	s24 =	sand.u32 $0xFFFE, s13;
	s22 =	sand.u32 $0xFFFD, s12;
	s19 =	smul.u32 $0x2493, s18  }
0x8c: {  	v7 =	vld [tilespmem:s28+$0x0];
	v59 =	vadd.s32 s14, v3;
	s5 =	sshrl.u32 s10, $0x1;
	s10 =	sor.u32 $0x2, s7;
	s14 =	smul.u32 $0x2493, s22  }
0x8d: {  	s1 =	ssub.s32 s1, s3;
	s20 =	sand.u32 $0xFFFA, s10;
	s18 =	smul.u32 $0x2493, s24  }
0x8e: {  	v57 =	vld [tilespmem:s28+$0x10];
	s4 =	sshrl.u32 s4, $0x10;
	s11 =	sshll.u32 s1, $0x4;
	s3 =	smul.u32 $0x2493, s20  }
0x8f: {  	v60 =	vld [tilespmem:s28+$0x20];
	v8 =	vsub.s32 v8, v0;
	v6 =	vsub.s32 v6, v0;
	v61 =	vadd.s32 s25, v3;
	s25 =	ssub.s32 $0x10, s4;
	s0 =	sor.u32 $0x1388, s11;
	s11 =	sor.u32 $0x4, s7  }
0x90: {  	v5 =	vsub.s32 v5, v0;
	vm0 =	vlt.u32 v8, $0x1388;
	v63 =	vadd.s32 s9, v3;
	s2 =	sshrl.u32 s19, $0x10;
	s19 =	sand.u32 $0xFFFE, s25;
	s9 =	sshrl.u32 s14, $0x10  }
0x91: {  	v7 =	vsub.s32 v7, v0;
	v8 =	vsel vm0, v8, v55;
	vm0 =	vlt.u32 v6, $0x1388;
	s21 =	sand.u32 $0xFFFC, s11;
	s3 =	sshrl.u32 s3, $0x10;
	s20 =	ssub.s32 s8, s2  }
0x92: {  	v4 =	vld [tilespmem:s26+$0xFFFFFFF0];
	v58 =	vadd.s32 s23, v3;
	[tilespmem:s28+$0xFFFFFFC0] =	vst v8;
	v6 =	vsel vm0, v6, v56;
	vm0 =	vlt.u32 v5, $0x1388;
	s23 =	sshrl.u32 s19, $0x1;
	s19 =	ssub.s32 s12, s9;
	s1 =	smul.u32 $0x2493, s21  }
0x93: {  	[tilespmem:s28+$0xFFFFFFD0] =	vst v6;
	v5 =	vsel vm0, v5, v58;
	vm0 =	vlt.u32 v7, $0x1388;
	v6 =	vsub.s32 v57, v0;
	s24 =	sand.u32 $0xFFFE, s20;
	s4 =	sadd.s32 s4, s23;
	s21 =	ssub.s32 s10, s3  }
0x94: {  	[tilespmem:s28+$0xFFFFFFE0] =	vst v5;
	v5 =	vsel vm0, v7, v59;
	vm0 =	vlt.u32 v6, $0x1388;
	v7 =	vsub.s32 v60, v0;
	s20 =	sand.u32 $0xFFFE, s19;
	s24 =	sshrl.u32 s24, $0x1;
	s23 =	sand.u32 $0xFFFE, s21  }
0x95: {  	[tilespmem:s28+$0x0] =	vst v5;
	v5 =	vsel vm0, v6, v61;
	vm0 =	vlt.u32 v7, $0x1388;
	s4 =	sshrl.u32 s4, $0x2;
	s1 =	sshrl.u32 s1, $0x10;
	s25 =	sadd.s32 s2, s24  }
0x96: {  	v8 =	vld [tilespmem:s28+$0x30];
	[tilespmem:s28+$0x10] =	vst v5;
	v5 =	vsel vm0, v7, v63;
	s23 =	sshrl.u32 s23, $0x1;
	s4 =	smul.u32 $0x7, s4;
	s22 =	ssub.s32 s11, s1  }
0x97: {  	v62 =	vld [tilespmem:s28+$0xFFFFFFF0];
	[tilespmem:s28+$0x20] =	vst v5;
	s3 =	sadd.s32 s3, s23;
	s23 =	sshrl.u32 s6, $0x10;
	s6 =	sshrl.u32 s20, $0x1  }
0x98: {  	v6 =	vld [tilespmem:s29+$0xFFFFFFF0];
	s20 =	sshrl.u32 s25, $0x2;
	s2 =	sand.u32 $0xFFFE, s22;
	s21 =	ssub.s32 s17, s23  }
0x99: {  	s22 =	sshrl.u32 s18, $0x10;
	s6 =	sadd.s32 s9, s6;
	s25 =	smul.u32 $0x7, s20  }
0x9a: {  	v4 =	vsub.s32 v4, v0;
	s3 =	sshrl.u32 s3, $0x2;
	s14 =	sshrl.u32 s2, $0x1;
	s18 =	ssub.s32 s13, s22  }
0x9b: {  	v7 =	vadd.s32 s15, v3;
	vm0 =	vlt.u32 v4, $0x1388;
	v8 =	vsub.s32 v8, v0;
	s14 =	sadd.s32 s1, s14;
	s1 =	sand.u32 $0xFFFE, s21;
	s19 =	sand.u32 $0xFFFE, s18  }
0x9c: {  	vm0 =	vmmov vm0;
	v5 =	vsub.s32 v62, v0;
	vm1 =	vlt.u32 v8, $0x1388;
	s9 =	simm.s32 $0x3;
	s24 =	sshrl.u32 s1, $0x1;
	s1 =	sshrl.u32 s19, $0x1  }
0x9d: {  	vm2 =	vlt.u32 v5, $0x1388;
	v7 =	vsel vm1, v8, v7;
	v6 =	vsub.s32 v6, v0;
	s21 =	sadd.s32 s22, s1;
	s1 =	smul.u32 $0x7, s3;
	s22 =	sshrl.u32 s14, $0x2  }
0x9e: {  	vm1 =	vmmov vm0;
	vm0 =	vmmov vm2;
	[tilespmem:s28+$0x30] =	vst v7;
	s6 =	sshrl.u32 s6, $0x2;
	vm2 =	vlt.u32 v6, $0x1388;
	s2 =	smul.u32 $0x7, s22;
	s3 =	sshrl.u32 s21, $0x2  }
.LBB2_6:
0x9f: {  	p2 =	sne.s32 s9, $0x9C;
	s4 =	ssub.s32 s7, s4  }
0xa0: {  	s15 =	smul.u32 $0x7, s6;
	s6 =	smov.u32 s30;
	s14 =	smov.u32 s26  }
0xa1: {  	s26 =	smov.u32 s28;
	s3 =	smul.u32 $0x7, s3;
	s23 =	sadd.s32 s23, s24  }
0xa2: {  	s8 =	ssub.s32 s8, s25;
	s1 =	ssub.s32 s10, s1;
	s4 =	sshll.u32 s4, $0x4  }
0xa3: {  	s30 =	sor.u32 $0x3, s7;
	s28 =	smov.u32 s29;
	s2 =	ssub.s32 s11, s2  }
0xa4: {  	s4 =	sor.u32 $0x1388, s4;
	s10 =	ssub.s32 s12, s15;
	s3 =	ssub.s32 s13, s3  }
0xa5: {  	s8 =	sshll.u32 s8, $0x4;
	s1 =	sshll.u32 s1, $0x4;
	s2 =	sshll.u32 s2, $0x4;
	v7 =	vld [tilespmem:s29+$0xFFFFFFC0]  }
0xa6: {  	s4 =	sand.u32 $0xFFF8, s4;
	s10 =	sshll.u32 s10, $0x4;
	s3 =	sshll.u32 s3, $0x4;
	v8 =	vld [tilespmem:s29+$0xFFFFFFD0]  }
0xa7: {  	s8 =	sor.u32 $0x1388, s8;
	s1 =	sor.u32 $0x1388, s1;
	s2 =	sor.u32 $0x1388, s2;
	v9 =	vld [tilespmem:s29+$0xFFFFFFE0]  }
0xa8: {  	s8 =	sand.u32 $0xFFF8, s8;
	s1 =	sand.u32 $0xFFF8, s1;
	s10 =	sor.u32 $0x1388, s10;
	v10 =	vld [tilespmem:s29+$0x0]  }
0xa9: {  	v11 =	vadd.s32 s4, v3;
	v12 =	vadd.s32 s8, v3;
	v13 =	vadd.s32 s1, v3;
	s1 =	sand.u32 $0xFFF8, s2;
	s3 =	sor.u32 $0x1388, s3;
	s2 =	sand.u32 $0xFFF8, s10;
	v14 =	vld [tilespmem:s29+$0x10]  }
0xaa: {  	s7 =	sshll.u32 s9, $0x3;
	v15 =	vadd.s32 s1, v3;
	s1 =	sand.u32 $0xFFF8, s3;
	v16 =	vadd.s32 s2, v3;
	s2 =	sshrl.u32 s23, $0x2;
	v7 =	vsub.s32 v7, v0;
	v17 =	vld [tilespmem:s29+$0x20]  }
0xab: {  	s3 =	sand.u32 $0xFFFB, s30;
	v18 =	vadd.s32 s1, v3;
	s1 =	smul.u32 $0x7, s2;
	s2 =	sadd.s32 s31, s5;
	vm3 =	vlt.u32 v7, $0x1388;
	v8 =	vsub.s32 v8, v0;
	v19 =	vld [tilespmem:s29+$0x30]  }
0xac: {  	s4 =	sand.u32 $0xFFF8, s0;
	s3 =	smul.u32 $0x2493, s3;
	s2 =	sshrl.u32 s2, $0x2;
	v7 =	vsel vm3, v7, v11;
	vm3 =	vlt.u32 v8, $0x1388;
	v9 =	vsub.s32 v9, v0  }
0xad: {  	s13 =	sor.u32 $0x6, s7;
	s0 =	ssub.s32 s17, s1;
	s1 =	smul.u32 $0x7, s2;
	[tilespmem:s29+$0xFFFFFFC0] =	vst v7;
	v7 =	vsel vm3, v8, v12;
	vm3 =	vlt.u32 v9, $0x1388;
	v8 =	vsub.s32 v10, v0  }
0xae: {  	s15 =	sand.u32 $0xFFFE, s13;
	s31 =	sshrl.u32 s3, $0x10;
	s0 =	sshll.u32 s0, $0x4;
	[tilespmem:s29+$0xFFFFFFD0] =	vst v7;
	v7 =	vsel vm3, v9, v13;
	vm3 =	vlt.u32 v8, $0x1388;
	v9 =	vsub.s32 v14, v0  }
0xaf: {  	s2 =	ssub.s32 s30, s31;
	s0 =	sor.u32 $0x1388, s0;
	s1 =	ssub.s32 s6, s1;
	[tilespmem:s29+$0xFFFFFFE0] =	vst v7;
	v7 =	vsel vm3, v8, v15;
	vm3 =	vlt.u32 v9, $0x1388;
	v8 =	vsub.s32 v17, v0  }
0xb0: {  	s2 =	sand.u32 $0xFFFE, s2;
	s0 =	sand.u32 $0xFFF8, s0;
	s1 =	sshll.u32 s1, $0x4;
	[tilespmem:s29+$0x0] =	vst v7;
	v7 =	vsel vm3, v9, v16;
	vm3 =	vlt.u32 v8, $0x1388;
	v9 =	vsub.s32 v19, v0  }
0xb1: {  	s15 =	smul.u32 $0x2493, s15;
	s5 =	sshrl.u32 s2, $0x1;
	[tilespmem:s29+$0x10] =	vst v7;
	v7 =	vsel vm3, v8, v18;
	vm3 =	vlt.u32 v9, $0x1388;
	v8 =	vadd.s32 s0, v3;
	s0 =	sor.u32 $0x1388, s1  }
0xb2: {  	s17 =	sshllo.u32 s9, $0x3;
	s1 =	sand.u32 $0xFFF8, s7;
	s29 =	sadd.s32 $0x80, s29;
	[tilespmem:s28+$0x20] =	vst v7;
	v7 =	vsel vm3, v9, v8;
	v8 =	vadd.s32 s4, v3  }
0xb3: {  	s8 =	sor.u32 $0x1, s7;
	s2 =	sand.u32 $0xFFFF, s17;
	s1 =	smul.u32 $0x2493, s1;
	v9 =	vld [tilespmem:s29+$0xFFFFFFF0];
	[tilespmem:s28+$0x30] =	vst v7;
	v7 =	vsel vm1, v4, v8;
	v4 =	vmovc v5;
	v5 =	vmovc v6;
	vm1 =	vmmov vm0;
	vm0 =	vmmov vm2  }
0xb4: {  	s10 =	sor.u32 $0x2, s7;
	s3 =	sand.u32 $0xFFF9, s8;
	s2 =	smul.u32 $0x2493, s2;
	[tilespmem:s14+$0xFFFFFFF0] =	vst v7  }
0xb5: {  	s11 =	sor.u32 $0x4, s7;
	s3 =	smul.u32 $0x2493, s3;
	s4 =	sand.u32 $0xFFFA, s10  }
0xb6: {  	s12 =	sor.u32 $0x5, s7;
	s6 =	sand.u32 $0xFFFC, s11;
	s4 =	smul.u32 $0x2493, s4  }
0xb7: {  	s6 =	smul.u32 $0x2493, s6;
	s14 =	sand.u32 $0xFFFD, s12  }
0xb8: {  	s1 =	sshrl.u32 s1, $0x10;
	s14 =	smul.u32 $0x2493, s14;
	v6 =	vsub.s32 v9, v0  }
0xb9: {  	s15 =	sshrl.u32 s15, $0x10;
	s23 =	sshrl.u32 s2, $0x10;
	s24 =	ssub.s32 s7, s1;
	vm2 =	vlt.u32 v6, $0x1388  }
0xba: {  	s2 =	sshrl.u32 s3, $0x10;
	s3 =	sshrl.u32 s4, $0x10;
	s4 =	ssub.s32 s17, s23  }
0xbb: {  	s18 =	ssub.s32 s13, s15;
	s6 =	sshrl.u32 s6, $0x10;
	s14 =	sshrl.u32 s14, $0x10  }
0xbc: {  	s25 =	ssub.s32 s8, s2;
	s24 =	sand.u32 $0xFFFE, s24;
	s4 =	sand.u32 $0xFFFE, s4  }
0xbd: {  	s21 =	ssub.s32 s11, s6;
	s19 =	ssub.s32 s10, s3;
	s20 =	ssub.s32 s12, s14  }
0xbe: {  	s18 =	sand.u32 $0xFFFE, s18;
	s22 =	sshrl.u32 s24, $0x1;
	s24 =	sshrl.u32 s4, $0x1  }
0xbf: {  	s21 =	sand.u32 $0xFFFE, s21;
	s4 =	sand.u32 $0xFFFE, s25;
	s19 =	sand.u32 $0xFFFE, s19  }
0xc0: {  	s18 =	sshrl.u32 s18, $0x1;
	s1 =	sadd.s32 s1, s22;
	s20 =	sand.u32 $0xFFFE, s20  }
0xc1: {  	s21 =	sshrl.u32 s21, $0x1;
	s4 =	sshrl.u32 s4, $0x1;
	s19 =	sshrl.u32 s19, $0x1  }
0xc2: {  	s6 =	sadd.s32 s6, s21;
	s1 =	sshrl.u32 s1, $0x2;
	s20 =	sshrl.u32 s20, $0x1  }
.Ltmp2:
0xc3: {  	s2 =	sadd.s32 s2, s4;
	s3 =	sadd.s32 s3, s19;
	(pc) =	sbr.rel @p2 .LBB2_6-.Ltmp2, $4  }
0xc4: {  	s4 =	smul.u32 $0x7, s1;
	s1 =	sshrl.u32 s2, $0x2;
	s2 =	sadd.s32 s14, s20  }
0xc5: {  	s25 =	smul.u32 $0x7, s1;
	s1 =	sshrl.u32 s3, $0x2;
	s3 =	sadd.s32 s15, s18  }
0xc6: {  	s14 =	sshrl.u32 s6, $0x2;
	s1 =	smul.u32 $0x7, s1;
	s6 =	sshrl.u32 s2, $0x2  }
0xc7: {  	s9 =	sadd.s32 $0x1, s9;
	s2 =	smul.u32 $0x7, s14;
	s3 =	sshrl.u32 s3, $0x2  }
0xc8: {  	s9 =	sadd.s32 s23, s24;
	s8 =	ssub.s32 s8, s25;
	s6 =	smul.u32 $0x7, s6  }
0xc9: {  	s1 =	ssub.s32 s10, s1;
	s4 =	ssub.s32 s7, s4;
	s3 =	smul.u32 $0x7, s3  }
0xca: {  	s5 =	sadd.s32 s31, s5;
	s0 =	sand.u32 $0xFFF8, s0;
	s2 =	ssub.s32 s11, s2  }
0xcb: {  	s4 =	sshll.u32 s4, $0x4;
	s8 =	sshll.u32 s8, $0x4;
	s1 =	sshll.u32 s1, $0x4  }
0xcc: {  	v7 =	vld [tilespmem:s29+$0xFFFFFFC0];
	s18 =	sshrl.u32 s9, $0x2;
	s3 =	ssub.s32 s13, s3;
	s13 =	sor.u32 $0x3, s7  }
0xcd: {  	v8 =	vld [tilespmem:s29+$0xFFFFFFD0];
	s6 =	ssub.s32 s12, s6;
	s4 =	sor.u32 $0x1388, s4;
	s15 =	sand.u32 $0xFFFB, s13  }
0xce: {  	v9 =	vld [tilespmem:s29+$0xFFFFFFE0];
	s2 =	sshll.u32 s2, $0x4;
	s14 =	sor.u32 $0x1388, s8;
	s8 =	smul.u32 $0x2493, s15  }
0xcf: {  	v10 =	vld [tilespmem:s29+$0x0];
	s1 =	sor.u32 $0x1388, s1;
	s12 =	sand.u32 $0xFFF8, s4;
	s3 =	sshll.u32 s3, $0x4  }
0xd0: {  	v14 =	vld [tilespmem:s29+$0x10];
	s2 =	sor.u32 $0x1388, s2;
	s7 =	sand.u32 $0xFFF8, s14;
	s8 =	sshrl.u32 s8, $0x10  }
0xd1: {  	v17 =	vld [tilespmem:s29+$0x20];
	v59 =	vadd.s32 s0, v3;
	s1 =	sand.u32 $0xFFF8, s1;
	s2 =	sand.u32 $0xFFF8, s2;
	v11 =	vadd.s32 s12, v3;
	v12 =	vadd.s32 s7, v3;
	s19 =	ssub.s32 s13, s8  }
0xd2: {  	s6 =	sshll.u32 s6, $0x4;
	s3 =	sor.u32 $0x1388, s3;
	v13 =	vadd.s32 s1, v3;
	v15 =	vadd.s32 s2, v3;
	v7 =	vsub.s32 v7, v0;
	s21 =	sand.u32 $0xFFFE, s19  }
0xd3: {  	s1 =	smul.u32 $0x7, s18;
	s20 =	sand.u32 $0xFFF8, s3;
	v8 =	vsub.s32 v8, v0;
	v9 =	vsub.s32 v9, v0;
	vm3 =	vlt.u32 v7, $0x1388;
	s3 =	sshrl.u32 s21, $0x1  }
0xd4: {  	v19 =	vld [tilespmem:s29+$0x30];
	s22 =	sshrl.u32 s5, $0x2;
	s6 =	sor.u32 $0x1388, s6;
	v52 =	vsub.s32 v10, v0;
	vm8 =	vlt.u32 v8, $0x1388;
	v7 =	vsel vm3, v7, v11;
	s3 =	sadd.s32 s8, s3  }
0xd5: {  	s2 =	smul.u32 $0x7, s22;
	v54 =	vsub.s32 v14, v0;
	s1 =	ssub.s32 s17, s1;
	vm9 =	vlt.u32 v9, $0x1388;
	v51 =	vsel vm8, v8, v12;
	[tilespmem:s29+$0xFFFFFFC0] =	vst v7;
	s3 =	sshrl.u32 s3, $0x2  }
0xd6: {  	s6 =	sand.u32 $0xFFF8, s6;
	v56 =	vsub.s32 v17, v0;
	vm10 =	vlt.u32 v52, $0x1388;
	s1 =	sshll.u32 s1, $0x4;
	v53 =	vsel vm9, v9, v13;
	[tilespmem:s29+$0xFFFFFFD0] =	vst v51;
	s3 =	smul.u32 $0x7, s3  }
0xd7: {  	v16 =	vadd.s32 s6, v3;
	vm11 =	vlt.u32 v54, $0x1388;
	s2 =	ssub.s32 s30, s2;
	v55 =	vsel vm10, v52, v15;
	s1 =	sor.u32 $0x1388, s1;
	[tilespmem:s29+$0xFFFFFFE0] =	vst v53  }
0xd8: {  	v18 =	vadd.s32 s20, v3;
	vm12 =	vlt.u32 v56, $0x1388;
	v58 =	vsel vm11, v54, v16;
	s2 =	sshll.u32 s2, $0x4;
	[tilespmem:s29+$0x0] =	vst v55;
	s1 =	sand.u32 $0xFFF8, s1;
	s23 =	ssub.s32 s13, s3  }
0xd9: {  	v60 =	vsub.s32 v19, v0;
	v61 =	vsel vm12, v56, v18;
	[tilespmem:s29+$0x10] =	vst v58;
	s2 =	sor.u32 $0x1388, s2;
	v57 =	vadd.s32 s1, v3;
	s1 =	sshll.u32 s23, $0x4  }
0xda: {  	vm0 =	vmmov vm0;
	v4 =	vsel vm1, v4, v59;
	vm13 =	vlt.u32 v60, $0x1388;
	[tilespmem:s29+$0x20] =	vst v61;
	s24 =	sand.u32 $0xFFF8, s2;
	s25 =	sor.u32 $0x1388, s1  }
0xdb: {  	vm14 =	vmmov vm2;
	[tilespmem:s26+$0xFFFFFFF0] =	vst v4;
	v62 =	vadd.s32 s24, v3;
	v4 =	vsel vm13, v60, v57;
	s0 =	sand.u32 $0xFFF8, s25  }
0xdc: {  	vm15 =	vmmov vm14;
	[tilespmem:s29+$0x30] =	vst v4;
	v4 =	vsel vm0, v5, v62;
	v63 =	vadd.s32 s0, v3  }
0xdd: {  	s10 =	simm.s32 $0xA000;
	[tilespmem:s28+$0xFFFFFFF0] =	vst v4;
	v4 =	vsel vm15, v6, v63  }
0xde: {  	s5 =	rddreg [dreg:$0x0];
	s9 =	simm.s32 $0x80;
	s26 =	simm.s32 $0x0;
	[tilespmem:s29+$0xFFFFFFF0] =	vst v4  }
0xdf: {  	[tilespmem:s10], [sflag:$0x1] =	stream.indirect.gather [hbm4b:s5+s9], $0x80, s26, s9, $0xb8;
	[tilespmem:$0x1D6C0] =	vst v63  }
0xe0: {  	s11 =	simm.s32 $0x1;
	s8 =	simm.s32 $0xE080;
	s28 =	simm.s32 $0x80  }
0xe1: {  	[tilespmem:s8], [sflag:$0x2] =	stream.indirect.gather [hbm4b:s5+s9], $0x80, s28, s9, $0xb8;
	[tilespmem:$0x1D6C0] =	vst v63  }
0xe2: {  	_ =	swait.ge [sflag:s11], $0x4000  }
0xe3: {  	[sflag:s11] =	ssyncset.done $0x0  }
0xe4: {  	[sflag:s11] =	ssyncadd.s32 $0xFFFFC000  }
0xe5: {  	s29 =	simm.s32 $0x5000;
	s6 =	rddreg [dreg:$0x3]  }
0xe6: {  	[spmem:s6] =	stream.indirect.scatter.add.f32 [tilespmem:s10], [sflag:$0x3], $0x80, s29, s9, $0xb8;
	[tilespmem:$0x1D6C0] =	vst v63  }
0xe7: {  	_ =	swait.ge [sflag:s16], $0x4000  }
0xe8: {  	[sflag:s16] =	ssyncset.done $0x0  }
0xe9: {  	[sflag:s16] =	ssyncadd.s32 $0xFFFFC000  }
0xea: {  	s12 =	simm.s32 $0xE000;
	s7 =	rddreg [dreg:$0x4]  }
0xeb: {  	[spmem:s7] =	stream.indirect.scatter.add.f32 [tilespmem:s12], [sflag:$0x3], $0x1, s29, s9, $0xb8;
	[tilespmem:$0x1D6C0] =	vst v63  }
0xec: {  	_ =	swait.ge [sflag:s16], $0x80  }
0xed: {  	[sflag:s16] =	ssyncset.done $0x0  }
0xee: {  	s30 =	simm.s32 $0x100;
	s13 =	simm.s32 $0x2;
	[sflag:s16] =	ssyncadd.s32 $0xFFFFFF80  }
0xef: {  	[tilespmem:s10], [sflag:$0x1] =	stream.indirect.gather [hbm4b:s5+s9], $0x80, s30, s9, $0xb8;
	[tilespmem:$0x1D6C0] =	vst v63  }
0xf0: {  	_ =	swait.ge [sflag:s13], $0x4000  }
0xf1: {  	[sflag:s13] =	ssyncset.done $0x0  }
0xf2: {  	s31 =	simm.s32 $0x5080;
	[sflag:s13] =	ssyncadd.s32 $0xFFFFC000  }
0xf3: {  	[spmem:s6] =	stream.indirect.scatter.add.f32 [tilespmem:s8], [sflag:$0x3], $0x80, s31, s9, $0xb8;
	[tilespmem:$0x1D6C0] =	vst v63  }
0xf4: {  	_ =	swait.ge [sflag:s16], $0x4000  }
0xf5: {  	[sflag:s16] =	ssyncset.done $0x0  }
0xf6: {  	[sflag:s16] =	ssyncadd.s32 $0xFFFFC000  }
0xf7: {  	[spmem:s7] =	stream.indirect.scatter.add.f32 [tilespmem:s12], [sflag:$0x3], $0x1, s31, s9, $0xb8;
	[tilespmem:$0x1D6C0] =	vst v63  }
0xf8: {  	_ =	swait.ge [sflag:s16], $0x80  }
0xf9: {  	s1 =	simm.s32 $0x800;
	s0 =	simm.s32 $0x100;
	[sflag:s16] =	ssyncset.done $0x0  }
.LBB2_8:
0xfa: {  	s2 =	sadd.s32 $0x80, s0  }
0xfb: {  	[sflag:s16] =	ssyncadd.s32 $0xFFFFFF80;
	s3 =	smov.u32 s1;
	s4 =	sadd.s32 $0x400, s1  }
0xfc: {  	[tilespmem:s8], [sflag:$0x2] =	stream.indirect.gather [hbm4b:s5+s9], $0x80, s2, s9, $0xb8;
	[tilespmem:$0x1D6C0] =	vst v63  }
0xfd: {  	p2 =	sne.s32 s1, $0x13400;
	_ =	swait.ge [sflag:s11], $0x4000  }
0xfe: {  	[sflag:s11] =	ssyncset.done $0x0  }
0xff: {  	s1 =	sadd.s32 $0x5000, s0;
	[sflag:s11] =	ssyncadd.s32 $0xFFFFC000  }
0x100: {  	[spmem:s6] =	stream.indirect.scatter.add.f32 [tilespmem:s10], [sflag:$0x3], $0x80, s1, s9, $0xb8;
	[tilespmem:$0x1D6C0] =	vst v63  }
0x101: {  	_ =	swait.ge [sflag:s16], $0x4000  }
0x102: {  	[sflag:s16] =	ssyncset.done $0x0  }
0x103: {  	[sflag:s16] =	ssyncadd.s32 $0xFFFFC000  }
0x104: {  	[spmem:s7] =	stream.indirect.scatter.add.f32 [tilespmem:s12], [sflag:$0x3], $0x1, s1, s9, $0xb8;
	[tilespmem:$0x1D6C0] =	vst v63  }
0x105: {  	_ =	swait.ge [sflag:s16], $0x80  }
0x106: {  	[sflag:s16] =	ssyncset.done $0x0  }
0x107: {  	s1 =	sadd.s32 $0x100, s0;
	[sflag:s16] =	ssyncadd.s32 $0xFFFFFF80  }
0x108: {  	[tilespmem:s10], [sflag:$0x1] =	stream.indirect.gather [hbm4b:s5+s9], $0x80, s1, s9, $0xb8;
	[tilespmem:$0x1D6C0] =	vst v63  }
0x109: {  	_ =	swait.ge [sflag:s13], $0x4000  }
0x10a: {  	[sflag:s13] =	ssyncset.done $0x0  }
0x10b: {  	s0 =	sadd.s32 $0x5080, s0;
	[sflag:s13] =	ssyncadd.s32 $0xFFFFC000  }
0x10c: {  	[spmem:s6] =	stream.indirect.scatter.add.f32 [tilespmem:s8], [sflag:$0x3], $0x80, s0, s9, $0xb8;
	[tilespmem:$0x1D6C0] =	vst v63  }
0x10d: {  	_ =	swait.ge [sflag:s16], $0x4000  }
.Ltmp3:
0x10e: {  	[sflag:s16] =	ssyncset.done $0x0;
	(pc) =	sbr.rel @p2 .LBB2_8-.Ltmp3, $4  }
0x10f: {  	[sflag:s16] =	ssyncadd.s32 $0xFFFFC000  }
0x110: {  	[spmem:s7] =	stream.indirect.scatter.add.f32 [tilespmem:s12], [sflag:$0x3], $0x1, s0, s9, $0xb8;
	[tilespmem:$0x1D6C0] =	vst v63  }
0x111: {  	_ =	swait.ge [sflag:s16], $0x80  }
0x112: {  	s1 =	smov.u32 s4;
	s0 =	sshra.s32 s3, $0x2;
	[sflag:s16] =	ssyncset.done $0x0  }
0x113: {  	s1 =	sadd.s32 $0x80, s0;
	[sflag:s16] =	ssyncadd.s32 $0xFFFFFF80  }
0x114: {  	[tilespmem:s8], [sflag:$0x2] =	stream.indirect.gather [hbm4b:s5+s9], $0x80, s1, s9, $0xb8;
	[tilespmem:$0x1D6C0] =	vst v63  }
0x115: {  	_ =	swait.ge [sflag:s11], $0x4000  }
0x116: {  	[sflag:s11] =	ssyncset.done $0x0  }
0x117: {  	s24 =	sadd.s32 $0x5000, s0;
	[sflag:s11] =	ssyncadd.s32 $0xFFFFC000  }
0x118: {  	[spmem:s6] =	stream.indirect.scatter.add.f32 [tilespmem:s10], [sflag:$0x3], $0x80, s24, s9, $0xb8;
	[tilespmem:$0x1D6C0] =	vst v63  }
0x119: {  	_ =	swait.ge [sflag:s16], $0x4000  }
0x11a: {  	[sflag:s16] =	ssyncset.done $0x0  }
0x11b: {  	[sflag:s16] =	ssyncadd.s32 $0xFFFFC000  }
0x11c: {  	[spmem:s7] =	stream.indirect.scatter.add.f32 [tilespmem:s12], [sflag:$0x3], $0x1, s24, s9, $0xb8;
	[tilespmem:$0x1D6C0] =	vst v63  }
0x11d: {  	_ =	swait.ge [sflag:s16], $0x80  }
0x11e: {  	[sflag:s16] =	ssyncset.done $0x0  }
0x11f: {  	s25 =	sadd.s32 $0x100, s0;
	[sflag:s16] =	ssyncadd.s32 $0xFFFFFF80  }
0x120: {  	[tilespmem:s10], [sflag:$0x1] =	stream.indirect.gather [hbm4b:s5+s9], $0x80, s25, s9, $0xb8;
	[tilespmem:$0x1D6C0] =	vst v63  }
0x121: {  	_ =	swait.ge [sflag:s13], $0x4000  }
0x122: {  	[sflag:s13] =	ssyncset.done $0x0  }
0x123: {  	s26 =	sadd.s32 $0x5080, s0;
	[sflag:s13] =	ssyncadd.s32 $0xFFFFC000  }
0x124: {  	[spmem:s6] =	stream.indirect.scatter.add.f32 [tilespmem:s8], [sflag:$0x3], $0x80, s26, s9, $0xb8;
	[tilespmem:$0x1D6C0] =	vst v63  }
0x125: {  	_ =	swait.ge [sflag:s16], $0x4000  }
0x126: {  	[sflag:s16] =	ssyncset.done $0x0  }
0x127: {  	[sflag:s16] =	ssyncadd.s32 $0xFFFFC000  }
0x128: {  	[spmem:s7] =	stream.indirect.scatter.add.f32 [tilespmem:s12], [sflag:$0x3], $0x1, s26, s9, $0xb8;
	[tilespmem:$0x1D6C0] =	vst v63  }
0x129: {  	_ =	swait.ge [sflag:s16], $0x80  }
0x12a: {  	[sflag:s16] =	ssyncset.done $0x0  }
0x12b: {  	[sflag:s16] =	ssyncadd.s32 $0xFFFFFF80  }
0x12c: {  	_ =	swait.ge [sflag:s11], $0x4000  }
0x12d: {  	[sflag:s11] =	ssyncset.done $0x0  }
0x12e: {  	s28 =	simm.s32 $0x9E00;
	[sflag:s11] =	ssyncadd.s32 $0xFFFFC000  }
0x12f: {  	[spmem:s6] =	stream.indirect.scatter.add.f32 [tilespmem:s10], [sflag:$0x3], $0x80, s28, s9, $0xb8;
	[tilespmem:$0x1D6C0] =	vst v63  }
0x130: {  	_ =	swait.ge [sflag:s16], $0x4000  }
0x131: {  	[sflag:s16] =	ssyncset.done $0x0  }
0x132: {  	[sflag:s16] =	ssyncadd.s32 $0xFFFFC000  }
0x133: {  	[spmem:s7] =	stream.indirect.scatter.add.f32 [tilespmem:s12], [sflag:$0x3], $0x1, s28, s9, $0xb8;
	[tilespmem:$0x1D6C0] =	vst v63  }
0x134: {  	_ =	swait.ge [sflag:s16], $0x80  }
0x135: {  	[sflag:s16] =	ssyncset.done $0x0  }
0x136: {  	[sflag:s16] =	ssyncadd.s32 $0xFFFFFF80  }
0x137: {  	s29 =	stileid.u32;
	[bflag:$0x0] =	sbarrier.arrive $0xFFFF  }
0x138: {  	s0 =	sshll.u32 s29, $0x6;
	s30 =	rddreg [dreg:$0xc]  }
0x139: {  	s0 =	sor.u32 $0x1C03, s0;
	s2 =	rddreg [dreg:$0x10]  }
0x13a: {  	[hbm:s30], [sflag:s0] =	dma.local [spmem:s2], $0x1380  }
0x13b: {  	_ =	swait.ge [sflag:s16], $0x1380  }
0x13c: {  	[sflag:s16] =	ssyncset.done $0x0;
	s1 =	rddreg [dreg:$0xd]  }
0x13d: {  	s2 =	rddreg [dreg:$0x11];
	[sflag:s16] =	ssyncadd.s32 $0xFFFFEC80  }
0x13e: {  	[hbm:s1], [sflag:s0] =	dma.local @!p1 [spmem:s2], $0x80  }
0x13f: {  	s1 =	simm.s32 @!p1 $0x3  }
0x140: {  	s3 =	simm.s32 @!p1 $0x1;
	_ =	swait.ge @!p1 [sflag:s1], $0x80  }
0x141: {  	s4 =	simm.s32 @!p1 $0x20;
	s5 =	simm.s32 @!p1 $0x10;
	[sflag:s1] =	ssyncset.done @!p1 $0x0  }
0x142: {  	s2 =	sshrl.u32 @!p1 s7, $0x3;
	s6 =	rddreg [dreg:$0xe];
	[sflag:s1] =	ssyncadd.s32 @!p1 $0xFFFFFF80  }
0x143: {  	[hbm:s6@s4], [sflag:s0] =	dma.strided @!p1 [spmem:s2@s5], $0x280, s3, $0x10   }
0x144: {  	_ =	swait.ge @!p1 [sflag:s1], $0x280  }
0x145: {  	s14 =	rddreg [dreg:$0x6]  }
0x146: {  	s31 =	rddreg [dreg:$0xf];
	s14 =	sadd.s32 $0x1, s14  }
0x147: {  	p2 =	sne.s32 s14, s31  }
.Ltmp4:
0x148: {  	_ = 	snop;
	(pc) =	sbr.rel @p2 .LBB2_1-.Ltmp4, $3  }
0x149: {  	_ =	sdelay $0x1  }
0x14a: {  	[sflag:s1] =	ssyncset.done @!p1 $0x0  }
0x14b: {  	[sflag:s1] =	ssyncadd.s32 @!p1 $0xFFFFFD80  }
0x14c: {  	_ =	sfence.sel $0x180000  }
0x14d: {  	[bflag:$0x0] =	sbarrier.arrive $0xFFFF  }
0x14e: {  	_ =	strace $0x90000047  }
0x14f: {  	[bflag:$0x2] =	sbarrier.arrive $0xFFFF  }
0x150: {  	s0 =	rddreg [dreg:$0x5]  }
0x151: {  	s0 =	sadd.s32 @!p1 $0x100000, s0  }
0x152: {  	[sflag:s0] =	ssyncadd.tile.s32 @!p1 $0x1;
	_ =	shalt  }
.Lfunc_end2:
_tile_overlayer_lowered:
.L_overlay_start_2:
0x153: {  	(tag) =	ssettag $0x2  }
0x154: {  	s0 =	rddreg [dreg:$0x0];
	s2 =	stileid.u32  }
0x155: {  	s1 =	rddreg [dreg:$0x1];
	p0 =	sne.s32 s2, $0x0  }
0x156: {  	s3 =	rddreg [dreg:$0x2];
	[bflag:$0x3] =	sbarrier.arrive $0xFFFF;
	s2 =	simm.s32 @!p0 $0x1C03  }
0x157: {  	[timem:s3], [sflag:s2] =	dma.local @!p0 [hbm:s0], s1  }
0x158: {  	s0 =	simm.s32 @!p0 $0x3  }
0x159: {  	_ =	swait.ge @!p0 [sflag:s0], s1  }
0x15a: {  	s1 =	ssub.s32 @!p0 $0x0, s1;
	[sflag:s0] =	ssyncset.done @!p0 $0x0  }
0x15b: {  	[sflag:s0] =	ssyncadd.s32 @!p0 s1  }
0x15c: {  	[bflag:$0x3] =	sbarrier.arrive $0xFFFF  }
0x15d: {  	_ =	shalt  }

</sc_bundles>
